<compile_context>
chip_gen: v7x
topology: tpu7x:2x2x1
jax: 0.10.2.dev20260603
libtpu: 0.0.44.dev20260713+nightly
codegen_flags: <defaults>
</compile_context>

<pallas_src>
import jax
import jax.numpy as jnp
from jax import lax
from jax.experimental import pallas as pl
from jax.experimental.pallas import tpu as pltpu
from jax.experimental.pallas import tpu_sc as plsc

B, N, M = 16, 2048, 2048
NP1, MP1 = N + 1, M + 1
LANES = 16
HALF = N // 2
NGRP = HALF // LANES
CH = 16
NCH = HALF // CH


def _body(scores3d, gt0, gt1, out,
          g0_v, g1_v, dust_v, rows_v, part_v, stage_v, sh_part, acc_v,
          sem0, sem1):
    c = lax.axis_index("c")
    s = lax.axis_index("s")
    b = c * 8 + s // 2
    h = s % 2
    base_i = h * HALF

    pltpu.sync_copy(gt0.at[b, pl.ds(base_i, HALF)], g0_v)
    pltpu.sync_copy(gt1.at[b, pl.ds(base_i, HALF)], g1_v)
    pltpu.sync_copy(scores3d.at[b, pl.ds(N, 1), pl.ds(base_i, HALF)], dust_v)

    lane_iota = lax.iota(jnp.int32, LANES)
    sems = (sem0, sem1)

    def start(k, slot):
        pltpu.async_copy(
            scores3d.at[b, pl.ds(base_i + k * CH, CH), pl.ds(0, MP1)],
            rows_v.at[slot], sems[slot])

    def wait(slot):
        pltpu.make_async_copy(
            scores3d.at[b, pl.ds(base_i, CH), pl.ds(0, MP1)],
            rows_v.at[slot], sems[slot]).wait()

    def pick(k, slot):
        g0 = g0_v[pl.ds(k * LANES, LANES)]
        ind0 = jnp.where(g0 < 0, g0 + MP1, g0)
        return plsc.load_gather(rows_v.at[slot], [lane_iota, ind0])

    start(0, 0)
    start(1, 1)

    def stream_body(t, tp):
        k = t * 2
        wait(0)
        tp = tp + pick(k, 0)

        @pl.when(k + 2 < NCH)
        def _():
            start(k + 2, 0)
        wait(1)
        tp = tp + pick(k + 1, 1)

        @pl.when(k + 3 < NCH)
        def _():
            start(k + 3, 1)
        return tp

    tp = lax.fori_loop(0, NCH // 2, stream_body,
                       jnp.zeros((LANES,), jnp.float32))

    def tn_body(g, carry):
        tn, cnt = carry
        mask = g1_v[pl.ds(g * LANES, LANES)] == -1
        tn = tn + jnp.where(mask, dust_v[0, pl.ds(g * LANES, LANES)], 0.0)
        cnt = cnt + jnp.where(mask, 1, 0)
        return tn, cnt

    zf = jnp.zeros((LANES,), jnp.float32)
    tn, cnt = lax.fori_loop(0, NGRP, tn_body,
                            (zf, jnp.zeros((LANES,), jnp.int32)))

    tp_s = jnp.sum(tp)
    tn_s = jnp.sum(tn)
    cnt_s = jnp.sum(cnt).astype(jnp.float32)

    sel = (lane_iota == b).astype(jnp.float32)
    part_v[0, :] = sel * tp_s
    part_v[1, :] = sel * tn_s
    part_v[2, :] = sel * cnt_s
    pltpu.sync_copy(part_v, sh_part.at[s])
    plsc.subcore_barrier()

    @pl.when(s == 0)
    def _():
        pltpu.sync_copy(sh_part, acc_v)

        atp, atn, acnt = zf, zf, zf
        for r in range(16):
            atp = atp + acc_v[r, 0, :]
            atn = atn + acc_v[r, 1, :]
            acnt = acnt + acc_v[r, 2, :]
        term = (-atp - atn) / (acnt + jnp.float32(M)) * jnp.float32(1.0 / B)
        stage_v[...] = term
        pltpu.sync_copy(stage_v, out.at[c])


@jax.jit
def _run(scores3d, gt0, gt1):
    kern = pl.kernel(
        _body,
        out_type=jax.ShapeDtypeStruct((2, LANES), jnp.float32),
        mesh=plsc.VectorSubcoreMesh(core_axis_name="c", subcore_axis_name="s"),
        compiler_params=pltpu.CompilerParams(
            use_tc_tiling_on_sc=False, needs_layout_passes=False),
        scratch_types=[
            pltpu.VMEM((HALF,), jnp.int32),
            pltpu.VMEM((HALF,), jnp.int32),
            pltpu.VMEM((1, HALF), jnp.float32),
            pltpu.VMEM((2, CH, MP1), jnp.float32),
            pltpu.VMEM((3, LANES), jnp.float32),
            pltpu.VMEM((LANES,), jnp.float32),
            pltpu.VMEM_SHARED((16, 3, LANES), jnp.float32),
            pltpu.VMEM((16, 3, LANES), jnp.float32),
            pltpu.SemaphoreType.DMA,
            pltpu.SemaphoreType.DMA,
        ],
    )
    return kern(scores3d, gt0, gt1)


def kernel(gt_matches0, gt_matches1, scores):
    g0 = gt_matches0.astype(jnp.int32)
    g1 = gt_matches1.astype(jnp.int32)
    out = _run(scores, g0, g1)
    return jnp.sum(out)

# --- scband reference (transcript-rebuilt; emitter-appended) ---
"""Pipeline reference for scband-superglue-3393024163968 (READ-ONLY COPY).

The authoritative reference and input builder live on the scoring server;
editing this copy changes nothing except your own understanding.
"""

import jax, jax.numpy as jnp
import numpy as np

B, N, M = 16, 2048, 2048

def setup_inputs(seed: int = 0) -> dict:
    key = jax.random.key(seed)
    k0, k1, k2 = jax.random.split(key, 3)
    # ground-truth match indices; -1 means unmatched (maps to dustbin via negative-index wrap)
    gt_matches0 = jax.random.randint(k0, (B, N), -1, M, dtype=jnp.int64) if jax.config.jax_enable_x64 else jax.random.randint(k0, (B, N), -1, M).astype(jnp.int32)
    gt_matches1 = jax.random.randint(k1, (B, M), -1, N).astype(gt_matches0.dtype)
    scores = jax.random.normal(k2, (B, N + 1, M + 1), dtype=jnp.float32)
    return {"gt_matches0": gt_matches0, "gt_matches1": gt_matches1, "scores": scores}

def reference(gt_matches0, gt_matches1, scores):
    b, n = gt_matches0.shape
    m = gt_matches1.shape[1]
    batch_idx = jnp.arange(b)[:, None]           # [b, 1] broadcast over n
    idx = jnp.arange(n)[None, :]                 # [1, n]
    # true-positive term: scores[batch, i, gt_matches0[batch, i]] (negative index -> dustbin col m)
    ind0 = jnp.where(gt_matches0 < 0, gt_matches0 + scores.shape[2], gt_matches0)
    loss_tp = jnp.sum(scores[batch_idx, idx, ind0], axis=1)   # [b]
    # true-negative term: for entries where gt_matches1 == -1, gather scores[batch, -1 (dustbin row), j]
    mutual_inv = gt_matches1 == -1               # [b, m] (n == m required by original code)
    ind1 = jnp.where(gt_matches1 < 0, gt_matches1 + scores.shape[1], gt_matches1)
    vals = scores[batch_idx, ind1, idx]          # [b, m]
    loss_tn = jnp.sum(jnp.where(mutual_inv, vals, 0.0), axis=1)  # [b], per-batch segmented sum like the torch loop
    xx = jnp.sum(mutual_inv, axis=1)             # [b]
    loss_mean = jnp.mean((-loss_tp - loss_tn) / (xx.astype(scores.dtype) + m))
    return loss_mean

if __name__ == "__main__":
    import jax
    _d = setup_inputs()
    print(jax.jit(kernel)(*tuple(_d.values())))

</pallas_src>

<mosaic_0001>
#map = affine_map<(d0, d1) -> (0, 0, 0)>
#map1 = affine_map<(d0, d1) -> (0, 0)>
module attributes {stable_mosaic.version = 14 : i64} {
  func.func @_body(%arg0: i32, %arg1: i32, %arg2: memref<16x2049x2049xf32, #tpu.memory_space<hbm>>, %arg3: memref<16x2048xi32, #tpu.memory_space<hbm>>, %arg4: memref<16x2048xi32, #tpu.memory_space<hbm>>, %arg5: memref<2x16xf32, #tpu.memory_space<hbm>>, %arg6: memref<1024xi32, #tpu.memory_space<vmem>>, %arg7: memref<1024xi32, #tpu.memory_space<vmem>>, %arg8: memref<1x1024xf32, #tpu.memory_space<vmem>>, %arg9: memref<2x16x2049xf32, #tpu.memory_space<vmem>>, %arg10: memref<3x16xf32, #tpu.memory_space<vmem>>, %arg11: memref<16xf32, #tpu.memory_space<vmem>>, %arg12: memref<16x3x16xf32, #tpu.memory_space<vmem_shared>>, %arg13: memref<16x3x16xf32, #tpu.memory_space<vmem>>, %arg14: memref<!tpu.dma_semaphore, #tpu.memory_space<semaphore_mem>>, %arg15: memref<!tpu.dma_semaphore, #tpu.memory_space<semaphore_mem>>) attributes {dimension_semantics = [#tpu.dimension_semantics<core_parallel>, #tpu.dimension_semantics<subcore_parallel>], iteration_bounds = array<i64: 2, 16>, scalar_prefetch = 0 : i64, scratch_operands = 10 : i64, tpu.core_type = #tpu.core_type<sc_vector_subcore>, window_params = [{transform_indices = #map}, {transform_indices = #map1}, {transform_indices = #map1}, {transform_indices = #map1}]} {
    %mul3A = arith.constant 8 : i32
    %mul3A_0 = arith.muli %arg0, %mul3A : i32
    %jit3A = arith.constant 2 : i32
    %div3A = arith.divsi %arg1, %jit3A : i32
    %sign3A = arith.constant 0 : i32
    %sign3A_1 = arith.cmpi sgt, %arg1, %sign3A : i32
    %sign3A_2 = arith.extui %sign3A_1 : i1 to i32
    %sign3A_3 = arith.constant 0 : i32
    %sign3A_4 = arith.cmpi slt, %arg1, %sign3A_3 : i32
    %sign3A_5 = arith.extui %sign3A_4 : i1 to i32
    %sign3A_6 = arith.subi %sign3A_2, %sign3A_5 : i32
    %sign3A_7 = arith.constant 0 : i32
    %sign3A_8 = arith.cmpi sgt, %jit3A, %sign3A_7 : i32
    %sign3A_9 = arith.extui %sign3A_8 : i1 to i32
    %sign3A_10 = arith.constant 0 : i32
    %sign3A_11 = arith.cmpi slt, %jit3A, %sign3A_10 : i32
    %sign3A_12 = arith.extui %sign3A_11 : i1 to i32
    %sign3A_13 = arith.subi %sign3A_9, %sign3A_12 : i32
    %ne3A = arith.cmpi ne, %sign3A_6, %sign3A_13 : i32
    %rem3A = arith.remsi %arg1, %jit3A : i32
    %ne3A_14 = arith.constant 0 : i32
    %ne3A_15 = arith.cmpi ne, %rem3A, %ne3A_14 : i32
    %and3A = arith.andi %ne3A, %ne3A_15 : i1
    %sub3A = arith.constant 1 : i32
    %sub3A_16 = arith.subi %div3A, %sub3A : i32
    %select_n3A = arith.select %and3A, %sub3A_16, %div3A : i32
    %add3A = arith.addi %mul3A_0, %select_n3A : i32
    %jit3A_17 = arith.constant 2 : i32
    %eq3A = arith.constant 0 : i32
    %eq3A_18 = arith.cmpi eq, %jit3A_17, %eq3A : i32
    %jit3A_19 = arith.constant 1 : i32
    %select_n3A_20 = arith.select %eq3A_18, %jit3A_19, %jit3A_17 : i32
    %rem3A_21 = arith.remsi %arg1, %select_n3A_20 : i32
    %ne3A_22 = arith.constant 0 : i32
    %ne3A_23 = arith.cmpi ne, %rem3A_21, %ne3A_22 : i32
    %lt3A = arith.constant 0 : i32
    %lt3A_24 = arith.cmpi slt, %rem3A_21, %lt3A : i32
    %lt3A_25 = arith.constant 0 : i32
    %lt3A_26 = arith.cmpi slt, %select_n3A_20, %lt3A_25 : i32
    %ne3A_27 = arith.xori %lt3A_24, %lt3A_26 : i1
    %and3A_28 = arith.andi %ne3A_27, %ne3A_23 : i1
    %add3A_29 = arith.addi %rem3A_21, %select_n3A_20 : i32
    %select_n3A_30 = arith.select %and3A_28, %add3A_29, %rem3A_21 : i32
    %mul3A_31 = arith.constant 1024 : i32
    %mul3A_32 = arith.muli %select_n3A_30, %mul3A_31 : i32
    "tpu.region"() ({
      %run_scoped3A = tpu.sem_alloc : memref<!tpu.dma_semaphore, #tpu.memory_space<semaphore_mem>>
      %dma_start3A_118 = tpu.memref_slice %arg3[%add3A, %mul3A_32] : memref<16x2048xi32, #tpu.memory_space<hbm>> -> memref<1x1024xi32, #tpu.memory_space<hbm>>
      %dma_start3A_119 = tpu.memref_squeeze %dma_start3A_118 : memref<1x1024xi32, #tpu.memory_space<hbm>> -> memref<1024xi32, #tpu.memory_space<hbm>>
      %dma_start3A_120 = tpu.memref_slice %arg3[%add3A, %mul3A_32] : memref<16x2048xi32, #tpu.memory_space<hbm>> -> memref<1x1024xi32, #tpu.memory_space<hbm>>
      %dma_start3A_121 = tpu.memref_squeeze %dma_start3A_120 : memref<1x1024xi32, #tpu.memory_space<hbm>> -> memref<1024xi32, #tpu.memory_space<hbm>>
      tpu.enqueue_dma source(%dma_start3A_121 : memref<1024xi32, #tpu.memory_space<hbm>>) target(%arg6 : memref<1024xi32, #tpu.memory_space<vmem>>) target_semaphore(%run_scoped3A : memref<!tpu.dma_semaphore, #tpu.memory_space<semaphore_mem>>)
      %dma_wait3A = tpu.memref_slice %arg3[%add3A, %mul3A_32] : memref<16x2048xi32, #tpu.memory_space<hbm>> -> memref<1x1024xi32, #tpu.memory_space<hbm>>
      %dma_wait3A_122 = tpu.memref_squeeze %dma_wait3A : memref<1x1024xi32, #tpu.memory_space<hbm>> -> memref<1024xi32, #tpu.memory_space<hbm>>
      %dma_wait3A_123 = tpu.memref_slice %arg3[%add3A, %mul3A_32] : memref<16x2048xi32, #tpu.memory_space<hbm>> -> memref<1x1024xi32, #tpu.memory_space<hbm>>
      %dma_wait3A_124 = tpu.memref_squeeze %dma_wait3A_123 : memref<1x1024xi32, #tpu.memory_space<hbm>> -> memref<1024xi32, #tpu.memory_space<hbm>>
      tpu.wait_dma2 semaphore(%run_scoped3A : memref<!tpu.dma_semaphore, #tpu.memory_space<semaphore_mem>>) src(%dma_wait3A_124 : memref<1024xi32, #tpu.memory_space<hbm>>) dst(%arg6 : memref<1024xi32, #tpu.memory_space<vmem>>)
      tpu.yield
    }) : () -> ()
    "tpu.region"() ({
      %run_scoped3A = tpu.sem_alloc : memref<!tpu.dma_semaphore, #tpu.memory_space<semaphore_mem>>
      %dma_start3A_118 = tpu.memref_slice %arg4[%add3A, %mul3A_32] : memref<16x2048xi32, #tpu.memory_space<hbm>> -> memref<1x1024xi32, #tpu.memory_space<hbm>>
      %dma_start3A_119 = tpu.memref_squeeze %dma_start3A_118 : memref<1x1024xi32, #tpu.memory_space<hbm>> -> memref<1024xi32, #tpu.memory_space<hbm>>
      %dma_start3A_120 = tpu.memref_slice %arg4[%add3A, %mul3A_32] : memref<16x2048xi32, #tpu.memory_space<hbm>> -> memref<1x1024xi32, #tpu.memory_space<hbm>>
      %dma_start3A_121 = tpu.memref_squeeze %dma_start3A_120 : memref<1x1024xi32, #tpu.memory_space<hbm>> -> memref<1024xi32, #tpu.memory_space<hbm>>
      tpu.enqueue_dma source(%dma_start3A_121 : memref<1024xi32, #tpu.memory_space<hbm>>) target(%arg7 : memref<1024xi32, #tpu.memory_space<vmem>>) target_semaphore(%run_scoped3A : memref<!tpu.dma_semaphore, #tpu.memory_space<semaphore_mem>>)
      %dma_wait3A = tpu.memref_slice %arg4[%add3A, %mul3A_32] : memref<16x2048xi32, #tpu.memory_space<hbm>> -> memref<1x1024xi32, #tpu.memory_space<hbm>>
      %dma_wait3A_122 = tpu.memref_squeeze %dma_wait3A : memref<1x1024xi32, #tpu.memory_space<hbm>> -> memref<1024xi32, #tpu.memory_space<hbm>>
      %dma_wait3A_123 = tpu.memref_slice %arg4[%add3A, %mul3A_32] : memref<16x2048xi32, #tpu.memory_space<hbm>> -> memref<1x1024xi32, #tpu.memory_space<hbm>>
      %dma_wait3A_124 = tpu.memref_squeeze %dma_wait3A_123 : memref<1x1024xi32, #tpu.memory_space<hbm>> -> memref<1024xi32, #tpu.memory_space<hbm>>
      tpu.wait_dma2 semaphore(%run_scoped3A : memref<!tpu.dma_semaphore, #tpu.memory_space<semaphore_mem>>) src(%dma_wait3A_124 : memref<1024xi32, #tpu.memory_space<hbm>>) dst(%arg7 : memref<1024xi32, #tpu.memory_space<vmem>>)
      tpu.yield
    }) : () -> ()
    "tpu.region"() ({
      %run_scoped3A = tpu.sem_alloc : memref<!tpu.dma_semaphore, #tpu.memory_space<semaphore_mem>>
      %dma_start3A_118 = arith.constant 2048 : i32
      %dma_start3A_119 = tpu.memref_slice %arg2[%add3A, %dma_start3A_118, %mul3A_32] : memref<16x2049x2049xf32, #tpu.memory_space<hbm>> -> memref<1x1x1024xf32, #tpu.memory_space<hbm>>
      %dma_start3A_120 = tpu.memref_squeeze %dma_start3A_119 : memref<1x1x1024xf32, #tpu.memory_space<hbm>> -> memref<1x1024xf32, #tpu.memory_space<hbm>>
      %dma_start3A_121 = arith.constant 2048 : i32
      %dma_start3A_122 = tpu.memref_slice %arg2[%add3A, %dma_start3A_121, %mul3A_32] : memref<16x2049x2049xf32, #tpu.memory_space<hbm>> -> memref<1x1x1024xf32, #tpu.memory_space<hbm>>
      %dma_start3A_123 = tpu.memref_squeeze %dma_start3A_122 : memref<1x1x1024xf32, #tpu.memory_space<hbm>> -> memref<1x1024xf32, #tpu.memory_space<hbm>>
      tpu.enqueue_dma source(%dma_start3A_123 : memref<1x1024xf32, #tpu.memory_space<hbm>>) target(%arg8 : memref<1x1024xf32, #tpu.memory_space<vmem>>) target_semaphore(%run_scoped3A : memref<!tpu.dma_semaphore, #tpu.memory_space<semaphore_mem>>)
      %dma_wait3A = arith.constant 2048 : i32
      %dma_wait3A_124 = tpu.memref_slice %arg2[%add3A, %dma_wait3A, %mul3A_32] : memref<16x2049x2049xf32, #tpu.memory_space<hbm>> -> memref<1x1x1024xf32, #tpu.memory_space<hbm>>
      %dma_wait3A_125 = tpu.memref_squeeze %dma_wait3A_124 : memref<1x1x1024xf32, #tpu.memory_space<hbm>> -> memref<1x1024xf32, #tpu.memory_space<hbm>>
      %dma_wait3A_126 = arith.constant 2048 : i32
      %dma_wait3A_127 = tpu.memref_slice %arg2[%add3A, %dma_wait3A_126, %mul3A_32] : memref<16x2049x2049xf32, #tpu.memory_space<hbm>> -> memref<1x1x1024xf32, #tpu.memory_space<hbm>>
      %dma_wait3A_128 = tpu.memref_squeeze %dma_wait3A_127 : memref<1x1x1024xf32, #tpu.memory_space<hbm>> -> memref<1x1024xf32, #tpu.memory_space<hbm>>
      tpu.wait_dma2 semaphore(%run_scoped3A : memref<!tpu.dma_semaphore, #tpu.memory_space<semaphore_mem>>) src(%dma_wait3A_128 : memref<1x1024xf32, #tpu.memory_space<hbm>>) dst(%arg8 : memref<1x1024xf32, #tpu.memory_space<vmem>>)
      tpu.yield
    }) : () -> ()
    %iota3A = tpu.iota {dimensions = array<i32: 0>} : vector<16xi32>
    %add3A_33 = arith.constant 0 : i32
    %add3A_34 = arith.addi %mul3A_32, %add3A_33 : i32
    %dma_start3A = arith.constant 0 : i32
    %dma_start3A_35 = arith.constant 0 : i32
    %dma_start3A_36 = arith.constant 0 : i32
    %dma_start3A_37 = tpu.memref_slice %arg9[%dma_start3A, %dma_start3A_35, %dma_start3A_36] : memref<2x16x2049xf32, #tpu.memory_space<vmem>> -> memref<1x16x2049xf32, #tpu.memory_space<vmem>>
    %dma_start3A_38 = tpu.memref_squeeze %dma_start3A_37 : memref<1x16x2049xf32, #tpu.memory_space<vmem>> -> memref<16x2049xf32, #tpu.memory_space<vmem>>
    %dma_start3A_39 = arith.constant 0 : i32
    %dma_start3A_40 = tpu.memref_slice %arg2[%add3A, %add3A_34, %dma_start3A_39] : memref<16x2049x2049xf32, #tpu.memory_space<hbm>> -> memref<1x16x2049xf32, #tpu.memory_space<hbm>>
    %dma_start3A_41 = tpu.memref_squeeze %dma_start3A_40 : memref<1x16x2049xf32, #tpu.memory_space<hbm>> -> memref<16x2049xf32, #tpu.memory_space<hbm>>
    %dma_start3A_42 = arith.constant 0 : i32
    %dma_start3A_43 = arith.constant 0 : i32
    %dma_start3A_44 = tpu.memref_slice %arg9[%dma_start3A, %dma_start3A_42, %dma_start3A_43] : memref<2x16x2049xf32, #tpu.memory_space<vmem>> -> memref<1x16x2049xf32, #tpu.memory_space<vmem>>
    %dma_start3A_45 = tpu.memref_squeeze %dma_start3A_44 : memref<1x16x2049xf32, #tpu.memory_space<vmem>> -> memref<16x2049xf32, #tpu.memory_space<vmem>>
    %dma_start3A_46 = arith.constant 0 : i32
    %dma_start3A_47 = tpu.memref_slice %arg2[%add3A, %add3A_34, %dma_start3A_46] : memref<16x2049x2049xf32, #tpu.memory_space<hbm>> -> memref<1x16x2049xf32, #tpu.memory_space<hbm>>
    %dma_start3A_48 = tpu.memref_squeeze %dma_start3A_47 : memref<1x16x2049xf32, #tpu.memory_space<hbm>> -> memref<16x2049xf32, #tpu.memory_space<hbm>>
    tpu.enqueue_dma source(%dma_start3A_48 : memref<16x2049xf32, #tpu.memory_space<hbm>>) target(%dma_start3A_45 : memref<16x2049xf32, #tpu.memory_space<vmem>>) target_semaphore(%arg14 : memref<!tpu.dma_semaphore, #tpu.memory_space<semaphore_mem>>)
    %add3A_49 = arith.constant 16 : i32
    %add3A_50 = arith.addi %mul3A_32, %add3A_49 : i32
    %dma_start3A_51 = arith.constant 1 : i32
    %dma_start3A_52 = arith.constant 0 : i32
    %dma_start3A_53 = arith.constant 0 : i32
    %dma_start3A_54 = tpu.memref_slice %arg9[%dma_start3A_51, %dma_start3A_52, %dma_start3A_53] : memref<2x16x2049xf32, #tpu.memory_space<vmem>> -> memref<1x16x2049xf32, #tpu.memory_space<vmem>>
    %dma_start3A_55 = tpu.memref_squeeze %dma_start3A_54 : memref<1x16x2049xf32, #tpu.memory_space<vmem>> -> memref<16x2049xf32, #tpu.memory_space<vmem>>
    %dma_start3A_56 = arith.constant 0 : i32
    %dma_start3A_57 = tpu.memref_slice %arg2[%add3A, %add3A_50, %dma_start3A_56] : memref<16x2049x2049xf32, #tpu.memory_space<hbm>> -> memref<1x16x2049xf32, #tpu.memory_space<hbm>>
    %dma_start3A_58 = tpu.memref_squeeze %dma_start3A_57 : memref<1x16x2049xf32, #tpu.memory_space<hbm>> -> memref<16x2049xf32, #tpu.memory_space<hbm>>
    %dma_start3A_59 = arith.constant 0 : i32
    %dma_start3A_60 = arith.constant 0 : i32
    %dma_start3A_61 = tpu.memref_slice %arg9[%dma_start3A_51, %dma_start3A_59, %dma_start3A_60] : memref<2x16x2049xf32, #tpu.memory_space<vmem>> -> memref<1x16x2049xf32, #tpu.memory_space<vmem>>
    %dma_start3A_62 = tpu.memref_squeeze %dma_start3A_61 : memref<1x16x2049xf32, #tpu.memory_space<vmem>> -> memref<16x2049xf32, #tpu.memory_space<vmem>>
    %dma_start3A_63 = arith.constant 0 : i32
    %dma_start3A_64 = tpu.memref_slice %arg2[%add3A, %add3A_50, %dma_start3A_63] : memref<16x2049x2049xf32, #tpu.memory_space<hbm>> -> memref<1x16x2049xf32, #tpu.memory_space<hbm>>
    %dma_start3A_65 = tpu.memref_squeeze %dma_start3A_64 : memref<1x16x2049xf32, #tpu.memory_space<hbm>> -> memref<16x2049xf32, #tpu.memory_space<hbm>>
    tpu.enqueue_dma source(%dma_start3A_65 : memref<16x2049xf32, #tpu.memory_space<hbm>>) target(%dma_start3A_62 : memref<16x2049xf32, #tpu.memory_space<vmem>>) target_semaphore(%arg15 : memref<!tpu.dma_semaphore, #tpu.memory_space<semaphore_mem>>)
    %broadcast_in_dim3A = arith.constant 0.000000e+00 : f32
    %broadcast_in_dim3A_66 = vector.broadcast %broadcast_in_dim3A : f32 to vector<16xf32>
    %scan3A = arith.constant 0 : i32
    %scan3A_67 = arith.constant 32 : i32
    %scan3A_68 = arith.addi %scan3A, %scan3A_67 : i32
    %scan3A_69 = arith.constant 1 : i32
    %scan3A_70 = scf.for %scan3A_118 = %scan3A to %scan3A_68 step %scan3A_69 iter_args(%scan3A_119 = %broadcast_in_dim3A_66) -> (vector<16xf32>)  : i32 {
      %mul3A_120 = arith.constant 2 : i32
      %mul3A_121 = arith.muli %scan3A_118, %mul3A_120 : i32
      %dma_wait3A = arith.constant 0 : i32
      %dma_wait3A_122 = arith.constant 0 : i32
      %dma_wait3A_123 = arith.constant 0 : i32
      %dma_wait3A_124 = tpu.memref_slice %arg9[%dma_wait3A, %dma_wait3A_122, %dma_wait3A_123] : memref<2x16x2049xf32, #tpu.memory_space<vmem>> -> memref<1x16x2049xf32, #tpu.memory_space<vmem>>
      %dma_wait3A_125 = tpu.memref_squeeze %dma_wait3A_124 : memref<1x16x2049xf32, #tpu.memory_space<vmem>> -> memref<16x2049xf32, #tpu.memory_space<vmem>>
      %dma_wait3A_126 = arith.constant 0 : i32
      %dma_wait3A_127 = tpu.memref_slice %arg2[%add3A, %mul3A_32, %dma_wait3A_126] : memref<16x2049x2049xf32, #tpu.memory_space<hbm>> -> memref<1x16x2049xf32, #tpu.memory_space<hbm>>
      %dma_wait3A_128 = tpu.memref_squeeze %dma_wait3A_127 : memref<1x16x2049xf32, #tpu.memory_space<hbm>> -> memref<16x2049xf32, #tpu.memory_space<hbm>>
      %dma_wait3A_129 = arith.constant 0 : i32
      %dma_wait3A_130 = arith.constant 0 : i32
      %dma_wait3A_131 = tpu.memref_slice %arg9[%dma_wait3A, %dma_wait3A_129, %dma_wait3A_130] : memref<2x16x2049xf32, #tpu.memory_space<vmem>> -> memref<1x16x2049xf32, #tpu.memory_space<vmem>>
      %dma_wait3A_132 = tpu.memref_squeeze %dma_wait3A_131 : memref<1x16x2049xf32, #tpu.memory_space<vmem>> -> memref<16x2049xf32, #tpu.memory_space<vmem>>
      %dma_wait3A_133 = arith.constant 0 : i32
      %dma_wait3A_134 = tpu.memref_slice %arg2[%add3A, %mul3A_32, %dma_wait3A_133] : memref<16x2049x2049xf32, #tpu.memory_space<hbm>> -> memref<1x16x2049xf32, #tpu.memory_space<hbm>>
      %dma_wait3A_135 = tpu.memref_squeeze %dma_wait3A_134 : memref<1x16x2049xf32, #tpu.memory_space<hbm>> -> memref<16x2049xf32, #tpu.memory_space<hbm>>
      tpu.wait_dma2 semaphore(%arg14 : memref<!tpu.dma_semaphore, #tpu.memory_space<semaphore_mem>>) src(%dma_wait3A_135 : memref<16x2049xf32, #tpu.memory_space<hbm>>) dst(%dma_wait3A_132 : memref<16x2049xf32, #tpu.memory_space<vmem>>)
      %mul3A_136 = arith.constant 16 : i32
      %mul3A_137 = arith.muli %mul3A_121, %mul3A_136 : i32
      %get3A = arith.index_cast %mul3A_137 : i32 to index
      %get3A_138 = tpu.vector_load %arg6[%get3A] {strides = array<i32>} : memref<1024xi32, #tpu.memory_space<vmem>>, vector<16xi32>,
      %lt3A_139 = arith.constant 0 : i32
      %lt3A_140 = vector.broadcast %lt3A_139 : i32 to vector<16xi32>
      %lt3A_141 = arith.cmpi slt, %get3A_138, %lt3A_140 : vector<16xi32>
      %add3A_142 = arith.constant 2049 : i32
      %add3A_143 = vector.broadcast %add3A_142 : i32 to vector<16xi32>
      %add3A_144 = arith.addi %get3A_138, %add3A_143 : vector<16xi32>
      %select_n3A_145 = arith.select %lt3A_141, %add3A_144, %get3A_138 : vector<16xi1>, vector<16xi32>
      %gather3A = arith.constant 0 : i32
      %gather3A_146 = arith.constant 0 : i32
      %gather3A_147 = arith.constant 0 : i32
      %gather3A_148 = tpu.memref_slice %arg9[%gather3A, %gather3A_146, %gather3A_147] : memref<2x16x2049xf32, #tpu.memory_space<vmem>> -> memref<1x16x2049xf32, #tpu.memory_space<vmem>>
      %gather3A_149 = tpu.memref_squeeze %gather3A_148 : memref<1x16x2049xf32, #tpu.memory_space<vmem>> -> memref<16x2049xf32, #tpu.memory_space<vmem>>
      %gather3A_150 = tpu.vector_load_idx %gather3A_149[%iota3A, %select_n3A_145] : memref<16x2049xf32, #tpu.memory_space<vmem>>[vector<16xi32>, vector<16xi32>], vector<16xf32>,
      %add3A_151 = arith.addf %scan3A_119, %gather3A_150 : vector<16xf32>
      %add3A_152 = arith.constant 2 : i32
      %add3A_153 = arith.addi %mul3A_121, %add3A_152 : i32
      %lt3A_154 = arith.constant 64 : i32
      %lt3A_155 = arith.cmpi slt, %add3A_153, %lt3A_154 : i32
      %convert_element_type3A_156 = arith.extui %lt3A_155 : i1 to i32
      %cond3A_157 = arith.constant 0 : i32
      %cond3A_158 = arith.cmpi ne, %convert_element_type3A_156, %cond3A_157 : i32
      scf.if %cond3A_158 {
        %add3A_201 = arith.constant 2 : i32
        %add3A_202 = arith.addi %mul3A_121, %add3A_201 : i32
        %mul3A_203 = arith.constant 16 : i32
        %mul3A_204 = arith.muli %add3A_202, %mul3A_203 : i32
        %add3A_205 = arith.addi %mul3A_32, %mul3A_204 : i32
        %dma_start3A_206 = arith.constant 0 : i32
        %dma_start3A_207 = arith.constant 0 : i32
        %dma_start3A_208 = arith.constant 0 : i32
        %dma_start3A_209 = tpu.memref_slice %arg9[%dma_start3A_206, %dma_start3A_207, %dma_start3A_208] : memref<2x16x2049xf32, #tpu.memory_space<vmem>> -> memref<1x16x2049xf32, #tpu.memory_space<vmem>>
        %dma_start3A_210 = tpu.memref_squeeze %dma_start3A_209 : memref<1x16x2049xf32, #tpu.memory_space<vmem>> -> memref<16x2049xf32, #tpu.memory_space<vmem>>
        %dma_start3A_211 = arith.constant 0 : i32
        %dma_start3A_212 = tpu.memref_slice %arg2[%add3A, %add3A_205, %dma_start3A_211] : memref<16x2049x2049xf32, #tpu.memory_space<hbm>> -> memref<1x16x2049xf32, #tpu.memory_space<hbm>>
        %dma_start3A_213 = tpu.memref_squeeze %dma_start3A_212 : memref<1x16x2049xf32, #tpu.memory_space<hbm>> -> memref<16x2049xf32, #tpu.memory_space<hbm>>
        %dma_start3A_214 = arith.constant 0 : i32
        %dma_start3A_215 = arith.constant 0 : i32
        %dma_start3A_216 = tpu.memref_slice %arg9[%dma_start3A_206, %dma_start3A_214, %dma_start3A_215] : memref<2x16x2049xf32, #tpu.memory_space<vmem>> -> memref<1x16x2049xf32, #tpu.memory_space<vmem>>
        %dma_start3A_217 = tpu.memref_squeeze %dma_start3A_216 : memref<1x16x2049xf32, #tpu.memory_space<vmem>> -> memref<16x2049xf32, #tpu.memory_space<vmem>>
        %dma_start3A_218 = arith.constant 0 : i32
        %dma_start3A_219 = tpu.memref_slice %arg2[%add3A, %add3A_205, %dma_start3A_218] : memref<16x2049x2049xf32, #tpu.memory_space<hbm>> -> memref<1x16x2049xf32, #tpu.memory_space<hbm>>
        %dma_start3A_220 = tpu.memref_squeeze %dma_start3A_219 : memref<1x16x2049xf32, #tpu.memory_space<hbm>> -> memref<16x2049xf32, #tpu.memory_space<hbm>>
        tpu.enqueue_dma source(%dma_start3A_220 : memref<16x2049xf32, #tpu.memory_space<hbm>>) target(%dma_start3A_217 : memref<16x2049xf32, #tpu.memory_space<vmem>>) target_semaphore(%arg14 : memref<!tpu.dma_semaphore, #tpu.memory_space<semaphore_mem>>)
      } else {
      }
      %dma_wait3A_159 = arith.constant 1 : i32
      %dma_wait3A_160 = arith.constant 0 : i32
      %dma_wait3A_161 = arith.constant 0 : i32
      %dma_wait3A_162 = tpu.memref_slice %arg9[%dma_wait3A_159, %dma_wait3A_160, %dma_wait3A_161] : memref<2x16x2049xf32, #tpu.memory_space<vmem>> -> memref<1x16x2049xf32, #tpu.memory_space<vmem>>
      %dma_wait3A_163 = tpu.memref_squeeze %dma_wait3A_162 : memref<1x16x2049xf32, #tpu.memory_space<vmem>> -> memref<16x2049xf32, #tpu.memory_space<vmem>>
      %dma_wait3A_164 = arith.constant 0 : i32
      %dma_wait3A_165 = tpu.memref_slice %arg2[%add3A, %mul3A_32, %dma_wait3A_164] : memref<16x2049x2049xf32, #tpu.memory_space<hbm>> -> memref<1x16x2049xf32, #tpu.memory_space<hbm>>
      %dma_wait3A_166 = tpu.memref_squeeze %dma_wait3A_165 : memref<1x16x2049xf32, #tpu.memory_space<hbm>> -> memref<16x2049xf32, #tpu.memory_space<hbm>>
      %dma_wait3A_167 = arith.constant 0 : i32
      %dma_wait3A_168 = arith.constant 0 : i32
      %dma_wait3A_169 = tpu.memref_slice %arg9[%dma_wait3A_159, %dma_wait3A_167, %dma_wait3A_168] : memref<2x16x2049xf32, #tpu.memory_space<vmem>> -> memref<1x16x2049xf32, #tpu.memory_space<vmem>>
      %dma_wait3A_170 = tpu.memref_squeeze %dma_wait3A_169 : memref<1x16x2049xf32, #tpu.memory_space<vmem>> -> memref<16x2049xf32, #tpu.memory_space<vmem>>
      %dma_wait3A_171 = arith.constant 0 : i32
      %dma_wait3A_172 = tpu.memref_slice %arg2[%add3A, %mul3A_32, %dma_wait3A_171] : memref<16x2049x2049xf32, #tpu.memory_space<hbm>> -> memref<1x16x2049xf32, #tpu.memory_space<hbm>>
      %dma_wait3A_173 = tpu.memref_squeeze %dma_wait3A_172 : memref<1x16x2049xf32, #tpu.memory_space<hbm>> -> memref<16x2049xf32, #tpu.memory_space<hbm>>
      tpu.wait_dma2 semaphore(%arg15 : memref<!tpu.dma_semaphore, #tpu.memory_space<semaphore_mem>>) src(%dma_wait3A_173 : memref<16x2049xf32, #tpu.memory_space<hbm>>) dst(%dma_wait3A_170 : memref<16x2049xf32, #tpu.memory_space<vmem>>)
      %add3A_174 = arith.constant 1 : i32
      %add3A_175 = arith.addi %mul3A_121, %add3A_174 : i32
      %mul3A_176 = arith.constant 16 : i32
      %mul3A_177 = arith.muli %add3A_175, %mul3A_176 : i32
      %get3A_178 = arith.index_cast %mul3A_177 : i32 to index
      %get3A_179 = tpu.vector_load %arg6[%get3A_178] {strides = array<i32>} : memref<1024xi32, #tpu.memory_space<vmem>>, vector<16xi32>,
      %lt3A_180 = arith.constant 0 : i32
      %lt3A_181 = vector.broadcast %lt3A_180 : i32 to vector<16xi32>
      %lt3A_182 = arith.cmpi slt, %get3A_179, %lt3A_181 : vector<16xi32>
      %add3A_183 = arith.constant 2049 : i32
      %add3A_184 = vector.broadcast %add3A_183 : i32 to vector<16xi32>
      %add3A_185 = arith.addi %get3A_179, %add3A_184 : vector<16xi32>
      %select_n3A_186 = arith.select %lt3A_182, %add3A_185, %get3A_179 : vector<16xi1>, vector<16xi32>
      %gather3A_187 = arith.constant 1 : i32
      %gather3A_188 = arith.constant 0 : i32
      %gather3A_189 = arith.constant 0 : i32
      %gather3A_190 = tpu.memref_slice %arg9[%gather3A_187, %gather3A_188, %gather3A_189] : memref<2x16x2049xf32, #tpu.memory_space<vmem>> -> memref<1x16x2049xf32, #tpu.memory_space<vmem>>
      %gather3A_191 = tpu.memref_squeeze %gather3A_190 : memref<1x16x2049xf32, #tpu.memory_space<vmem>> -> memref<16x2049xf32, #tpu.memory_space<vmem>>
      %gather3A_192 = tpu.vector_load_idx %gather3A_191[%iota3A, %select_n3A_186] : memref<16x2049xf32, #tpu.memory_space<vmem>>[vector<16xi32>, vector<16xi32>], vector<16xf32>,
      %add3A_193 = arith.addf %add3A_151, %gather3A_192 : vector<16xf32>
      %add3A_194 = arith.constant 3 : i32
      %add3A_195 = arith.addi %mul3A_121, %add3A_194 : i32
      %lt3A_196 = arith.constant 64 : i32
      %lt3A_197 = arith.cmpi slt, %add3A_195, %lt3A_196 : i32
      %convert_element_type3A_198 = arith.extui %lt3A_197 : i1 to i32
      %cond3A_199 = arith.constant 0 : i32
      %cond3A_200 = arith.cmpi ne, %convert_element_type3A_198, %cond3A_199 : i32
      scf.if %cond3A_200 {
        %add3A_201 = arith.constant 3 : i32
        %add3A_202 = arith.addi %mul3A_121, %add3A_201 : i32
        %mul3A_203 = arith.constant 16 : i32
        %mul3A_204 = arith.muli %add3A_202, %mul3A_203 : i32
        %add3A_205 = arith.addi %mul3A_32, %mul3A_204 : i32
        %dma_start3A_206 = arith.constant 1 : i32
        %dma_start3A_207 = arith.constant 0 : i32
        %dma_start3A_208 = arith.constant 0 : i32
        %dma_start3A_209 = tpu.memref_slice %arg9[%dma_start3A_206, %dma_start3A_207, %dma_start3A_208] : memref<2x16x2049xf32, #tpu.memory_space<vmem>> -> memref<1x16x2049xf32, #tpu.memory_space<vmem>>
        %dma_start3A_210 = tpu.memref_squeeze %dma_start3A_209 : memref<1x16x2049xf32, #tpu.memory_space<vmem>> -> memref<16x2049xf32, #tpu.memory_space<vmem>>
        %dma_start3A_211 = arith.constant 0 : i32
        %dma_start3A_212 = tpu.memref_slice %arg2[%add3A, %add3A_205, %dma_start3A_211] : memref<16x2049x2049xf32, #tpu.memory_space<hbm>> -> memref<1x16x2049xf32, #tpu.memory_space<hbm>>
        %dma_start3A_213 = tpu.memref_squeeze %dma_start3A_212 : memref<1x16x2049xf32, #tpu.memory_space<hbm>> -> memref<16x2049xf32, #tpu.memory_space<hbm>>
        %dma_start3A_214 = arith.constant 0 : i32
        %dma_start3A_215 = arith.constant 0 : i32
        %dma_start3A_216 = tpu.memref_slice %arg9[%dma_start3A_206, %dma_start3A_214, %dma_start3A_215] : memref<2x16x2049xf32, #tpu.memory_space<vmem>> -> memref<1x16x2049xf32, #tpu.memory_space<vmem>>
        %dma_start3A_217 = tpu.memref_squeeze %dma_start3A_216 : memref<1x16x2049xf32, #tpu.memory_space<vmem>> -> memref<16x2049xf32, #tpu.memory_space<vmem>>
        %dma_start3A_218 = arith.constant 0 : i32
        %dma_start3A_219 = tpu.memref_slice %arg2[%add3A, %add3A_205, %dma_start3A_218] : memref<16x2049x2049xf32, #tpu.memory_space<hbm>> -> memref<1x16x2049xf32, #tpu.memory_space<hbm>>
        %dma_start3A_220 = tpu.memref_squeeze %dma_start3A_219 : memref<1x16x2049xf32, #tpu.memory_space<hbm>> -> memref<16x2049xf32, #tpu.memory_space<hbm>>
        tpu.enqueue_dma source(%dma_start3A_220 : memref<16x2049xf32, #tpu.memory_space<hbm>>) target(%dma_start3A_217 : memref<16x2049xf32, #tpu.memory_space<vmem>>) target_semaphore(%arg15 : memref<!tpu.dma_semaphore, #tpu.memory_space<semaphore_mem>>)
      } else {
      }
      scf.yield %add3A_193 : vector<16xf32>
    }
    %scan3A_71 = arith.constant 32 : i32
    %broadcast_in_dim3A_72 = arith.constant 0.000000e+00 : f32
    %broadcast_in_dim3A_73 = vector.broadcast %broadcast_in_dim3A_72 : f32 to vector<16xf32>
    %broadcast_in_dim3A_74 = arith.constant 0 : i32
    %broadcast_in_dim3A_75 = vector.broadcast %broadcast_in_dim3A_74 : i32 to vector<16xi32>
    %scan3A_76 = arith.constant 0 : i32
    %scan3A_77 = arith.constant 64 : i32
    %scan3A_78 = arith.addi %scan3A_76, %scan3A_77 : i32
    %scan3A_79 = arith.constant 1 : i32
    %scan3A_80:2 = scf.for %scan3A_118 = %scan3A_76 to %scan3A_78 step %scan3A_79 iter_args(%scan3A_119 = %broadcast_in_dim3A_73, %scan3A_120 = %broadcast_in_dim3A_75) -> (vector<16xf32>, vector<16xi32>)  : i32 {
      %mul3A_121 = arith.constant 16 : i32
      %mul3A_122 = arith.muli %scan3A_118, %mul3A_121 : i32
      %get3A = arith.index_cast %mul3A_122 : i32 to index
      %get3A_123 = tpu.vector_load %arg7[%get3A] {strides = array<i32>} : memref<1024xi32, #tpu.memory_space<vmem>>, vector<16xi32>,
      %eq3A_124 = arith.constant -1 : i32
      %eq3A_125 = vector.broadcast %eq3A_124 : i32 to vector<16xi32>
      %eq3A_126 = arith.cmpi eq, %get3A_123, %eq3A_125 : vector<16xi32>
      %mul3A_127 = arith.constant 16 : i32
      %mul3A_128 = arith.muli %scan3A_118, %mul3A_127 : i32
      %get3A_129 = arith.constant 0 : i32
      %get3A_130 = arith.index_cast %get3A_129 : i32 to index
      %get3A_131 = arith.index_cast %mul3A_128 : i32 to index
      %get3A_132 = tpu.vector_load %arg8[%get3A_130, %get3A_131] {strides = array<i32>} : memref<1x1024xf32, #tpu.memory_space<vmem>>, vector<16xf32>,
      %jit3A_133 = arith.constant 0.000000e+00 : f32
      %broadcast_in_dim3A_134 = vector.broadcast %jit3A_133 : f32 to vector<16xf32>
      %select_n3A_135 = arith.select %eq3A_126, %get3A_132, %broadcast_in_dim3A_134 : vector<16xi1>, vector<16xf32>
      %add3A_136 = arith.addf %scan3A_119, %select_n3A_135 : vector<16xf32>
      %jit3A_137 = arith.constant 1 : i32
      %jit3A_138 = arith.constant 0 : i32
      %broadcast_in_dim3A_139 = vector.broadcast %jit3A_137 : i32 to vector<16xi32>
      %broadcast_in_dim3A_140 = vector.broadcast %jit3A_138 : i32 to vector<16xi32>
      %select_n3A_141 = arith.select %eq3A_126, %broadcast_in_dim3A_139, %broadcast_in_dim3A_140 : vector<16xi1>, vector<16xi32>
      %add3A_142 = arith.addi %scan3A_120, %select_n3A_141 : vector<16xi32>
      scf.yield %add3A_136, %add3A_142 : vector<16xf32>, vector<16xi32>
    }
    %scan3A_81 = arith.constant 64 : i32
    %reduce_sum3A = arith.constant true
    %reduce_sum3A_82 = vector.broadcast %reduce_sum3A : i1 to vector<16xi1>
    %reduce_sum3A_83 = tpu.scan <sum>, %scan3A_70 masked %reduce_sum3A_82 : vector<16xf32>, vector<16xi1> -> vector<16xf32>
    %reduce_sum3A_84 = vector.extract %reduce_sum3A_83[15] : f32 from vector<16xf32>
    %reduce_sum3A_85 = arith.constant true
    %reduce_sum3A_86 = vector.broadcast %reduce_sum3A_85 : i1 to vector<16xi1>
    %reduce_sum3A_87 = tpu.scan <sum>, %scan3A_80#0 masked %reduce_sum3A_86 : vector<16xf32>, vector<16xi1> -> vector<16xf32>
    %reduce_sum3A_88 = vector.extract %reduce_sum3A_87[15] : f32 from vector<16xf32>
    %reduce_sum3A_89 = arith.constant true
    %reduce_sum3A_90 = vector.broadcast %reduce_sum3A_89 : i1 to vector<16xi1>
    %reduce_sum3A_91 = tpu.scan <sum>, %scan3A_80#1 masked %reduce_sum3A_90 : vector<16xi32>, vector<16xi1> -> vector<16xi32>
    %reduce_sum3A_92 = vector.extract %reduce_sum3A_91[15] : i32 from vector<16xi32>
    %convert_element_type3A = arith.sitofp %reduce_sum3A_92 : i32 to f32
    %eq3A_93 = vector.broadcast %add3A : i32 to vector<16xi32>
    %eq3A_94 = arith.cmpi eq, %iota3A, %eq3A_93 : vector<16xi32>
    %convert_element_type3A_95 = arith.extui %eq3A_94 : vector<16xi1> to vector<16xi32>
    %convert_element_type3A_96 = arith.sitofp %convert_element_type3A_95 : vector<16xi32> to vector<16xf32>
    %mul3A_97 = vector.broadcast %reduce_sum3A_84 : f32 to vector<16xf32>
    %mul3A_98 = arith.mulf %convert_element_type3A_96, %mul3A_97 : vector<16xf32>
    %swap3A = arith.constant 0 : i32
    %swap3A_99 = arith.index_cast %swap3A : i32 to index
    %swap3A_100 = arith.constant 0 : index
    %swap3A_101 = tpu.vector_load %arg10[%swap3A_99, %swap3A_100] {strides = array<i32>} : memref<3x16xf32, #tpu.memory_space<vmem>>, vector<16xf32>,
    tpu.vector_store %arg10[%swap3A_99, %swap3A_100], %mul3A_98 {strides = array<i32>} : memref<3x16xf32, #tpu.memory_space<vmem>>, vector<16xf32>,
    %mul3A_102 = vector.broadcast %reduce_sum3A_88 : f32 to vector<16xf32>
    %mul3A_103 = arith.mulf %convert_element_type3A_96, %mul3A_102 : vector<16xf32>
    %swap3A_104 = arith.constant 1 : i32
    %swap3A_105 = arith.index_cast %swap3A_104 : i32 to index
    %swap3A_106 = arith.constant 0 : index
    %swap3A_107 = tpu.vector_load %arg10[%swap3A_105, %swap3A_106] {strides = array<i32>} : memref<3x16xf32, #tpu.memory_space<vmem>>, vector<16xf32>,
    tpu.vector_store %arg10[%swap3A_105, %swap3A_106], %mul3A_103 {strides = array<i32>} : memref<3x16xf32, #tpu.memory_space<vmem>>, vector<16xf32>,
    %mul3A_108 = vector.broadcast %convert_element_type3A : f32 to vector<16xf32>
    %mul3A_109 = arith.mulf %convert_element_type3A_96, %mul3A_108 : vector<16xf32>
    %swap3A_110 = arith.constant 2 : i32
    %swap3A_111 = arith.index_cast %swap3A_110 : i32 to index
    %swap3A_112 = arith.constant 0 : index
    %swap3A_113 = tpu.vector_load %arg10[%swap3A_111, %swap3A_112] {strides = array<i32>} : memref<3x16xf32, #tpu.memory_space<vmem>>, vector<16xf32>,
    tpu.vector_store %arg10[%swap3A_111, %swap3A_112], %mul3A_109 {strides = array<i32>} : memref<3x16xf32, #tpu.memory_space<vmem>>, vector<16xf32>,
    "tpu.region"() ({
      %run_scoped3A = tpu.sem_alloc : memref<!tpu.dma_semaphore, #tpu.memory_space<semaphore_mem>>
      %dma_start3A_118 = arith.constant 0 : i32
      %dma_start3A_119 = arith.constant 0 : i32
      %dma_start3A_120 = tpu.memref_slice %arg12[%arg1, %dma_start3A_118, %dma_start3A_119] : memref<16x3x16xf32, #tpu.memory_space<vmem_shared>> -> memref<1x3x16xf32, #tpu.memory_space<vmem_shared>>
      %dma_start3A_121 = tpu.memref_squeeze %dma_start3A_120 : memref<1x3x16xf32, #tpu.memory_space<vmem_shared>> -> memref<3x16xf32, #tpu.memory_space<vmem_shared>>
      %dma_start3A_122 = arith.constant 0 : i32
      %dma_start3A_123 = arith.constant 0 : i32
      %dma_start3A_124 = tpu.memref_slice %arg12[%arg1, %dma_start3A_122, %dma_start3A_123] : memref<16x3x16xf32, #tpu.memory_space<vmem_shared>> -> memref<1x3x16xf32, #tpu.memory_space<vmem_shared>>
      %dma_start3A_125 = tpu.memref_squeeze %dma_start3A_124 : memref<1x3x16xf32, #tpu.memory_space<vmem_shared>> -> memref<3x16xf32, #tpu.memory_space<vmem_shared>>
      tpu.enqueue_dma source(%arg10 : memref<3x16xf32, #tpu.memory_space<vmem>>) target(%dma_start3A_125 : memref<3x16xf32, #tpu.memory_space<vmem_shared>>) target_semaphore(%run_scoped3A : memref<!tpu.dma_semaphore, #tpu.memory_space<semaphore_mem>>)
      %dma_wait3A = arith.constant 0 : i32
      %dma_wait3A_126 = arith.constant 0 : i32
      %dma_wait3A_127 = tpu.memref_slice %arg12[%arg1, %dma_wait3A, %dma_wait3A_126] : memref<16x3x16xf32, #tpu.memory_space<vmem_shared>> -> memref<1x3x16xf32, #tpu.memory_space<vmem_shared>>
      %dma_wait3A_128 = tpu.memref_squeeze %dma_wait3A_127 : memref<1x3x16xf32, #tpu.memory_space<vmem_shared>> -> memref<3x16xf32, #tpu.memory_space<vmem_shared>>
      %dma_wait3A_129 = arith.constant 0 : i32
      %dma_wait3A_130 = arith.constant 0 : i32
      %dma_wait3A_131 = tpu.memref_slice %arg12[%arg1, %dma_wait3A_129, %dma_wait3A_130] : memref<16x3x16xf32, #tpu.memory_space<vmem_shared>> -> memref<1x3x16xf32, #tpu.memory_space<vmem_shared>>
      %dma_wait3A_132 = tpu.memref_squeeze %dma_wait3A_131 : memref<1x3x16xf32, #tpu.memory_space<vmem_shared>> -> memref<3x16xf32, #tpu.memory_space<vmem_shared>>
      tpu.wait_dma2 semaphore(%run_scoped3A : memref<!tpu.dma_semaphore, #tpu.memory_space<semaphore_mem>>) src(%arg10 : memref<3x16xf32, #tpu.memory_space<vmem>>) dst(%dma_wait3A_132 : memref<3x16xf32, #tpu.memory_space<vmem_shared>>)
      tpu.yield
    }) : () -> ()
    %barrier3A = arith.constant 0 : index
    tpu.barrier barrier_id(%barrier3A)
    %eq3A_114 = arith.constant 0 : i32
    %eq3A_115 = arith.cmpi eq, %arg1, %eq3A_114 : i32
    %convert_element_type3A_116 = arith.extui %eq3A_115 : i1 to i32
    %cond3A = arith.constant 0 : i32
    %cond3A_117 = arith.cmpi ne, %convert_element_type3A_116, %cond3A : i32
    scf.if %cond3A_117 {
      "tpu.region"() ({
        %run_scoped3A = tpu.sem_alloc : memref<!tpu.dma_semaphore, #tpu.memory_space<semaphore_mem>>
        tpu.enqueue_dma source(%arg12 : memref<16x3x16xf32, #tpu.memory_space<vmem_shared>>) target(%arg13 : memref<16x3x16xf32, #tpu.memory_space<vmem>>) target_semaphore(%run_scoped3A : memref<!tpu.dma_semaphore, #tpu.memory_space<semaphore_mem>>)
        tpu.wait_dma2 semaphore(%run_scoped3A : memref<!tpu.dma_semaphore, #tpu.memory_space<semaphore_mem>>) src(%arg12 : memref<16x3x16xf32, #tpu.memory_space<vmem_shared>>) dst(%arg13 : memref<16x3x16xf32, #tpu.memory_space<vmem>>)
        tpu.yield
      }) : () -> ()
      %get3A = arith.constant 0 : i32
      %get3A_118 = arith.constant 0 : i32
      %get3A_119 = arith.index_cast %get3A : i32 to index
      %get3A_120 = arith.index_cast %get3A_118 : i32 to index
      %get3A_121 = arith.constant 0 : index
      %get3A_122 = tpu.vector_load %arg13[%get3A_119, %get3A_120, %get3A_121] {strides = array<i32>} : memref<16x3x16xf32, #tpu.memory_space<vmem>>, vector<16xf32>,
      %add3A_123 = arith.addf %broadcast_in_dim3A_73, %get3A_122 : vector<16xf32>
      %get3A_124 = arith.constant 0 : i32
      %get3A_125 = arith.constant 1 : i32
      %get3A_126 = arith.index_cast %get3A_124 : i32 to index
      %get3A_127 = arith.index_cast %get3A_125 : i32 to index
      %get3A_128 = arith.constant 0 : index
      %get3A_129 = tpu.vector_load %arg13[%get3A_126, %get3A_127, %get3A_128] {strides = array<i32>} : memref<16x3x16xf32, #tpu.memory_space<vmem>>, vector<16xf32>,
      %add3A_130 = arith.addf %broadcast_in_dim3A_73, %get3A_129 : vector<16xf32>
      %get3A_131 = arith.constant 0 : i32
      %get3A_132 = arith.constant 2 : i32
      %get3A_133 = arith.index_cast %get3A_131 : i32 to index
      %get3A_134 = arith.index_cast %get3A_132 : i32 to index
      %get3A_135 = arith.constant 0 : index
      %get3A_136 = tpu.vector_load %arg13[%get3A_133, %get3A_134, %get3A_135] {strides = array<i32>} : memref<16x3x16xf32, #tpu.memory_space<vmem>>, vector<16xf32>,
      %add3A_137 = arith.addf %broadcast_in_dim3A_73, %get3A_136 : vector<16xf32>
      %get3A_138 = arith.constant 1 : i32
      %get3A_139 = arith.constant 0 : i32
      %get3A_140 = arith.index_cast %get3A_138 : i32 to index
      %get3A_141 = arith.index_cast %get3A_139 : i32 to index
      %get3A_142 = arith.constant 0 : index
      %get3A_143 = tpu.vector_load %arg13[%get3A_140, %get3A_141, %get3A_142] {strides = array<i32>} : memref<16x3x16xf32, #tpu.memory_space<vmem>>, vector<16xf32>,
      %add3A_144 = arith.addf %add3A_123, %get3A_143 : vector<16xf32>
      %get3A_145 = arith.constant 1 : i32
      %get3A_146 = arith.constant 1 : i32
      %get3A_147 = arith.index_cast %get3A_145 : i32 to index
      %get3A_148 = arith.index_cast %get3A_146 : i32 to index
      %get3A_149 = arith.constant 0 : index
      %get3A_150 = tpu.vector_load %arg13[%get3A_147, %get3A_148, %get3A_149] {strides = array<i32>} : memref<16x3x16xf32, #tpu.memory_space<vmem>>, vector<16xf32>,
      %add3A_151 = arith.addf %add3A_130, %get3A_150 : vector<16xf32>
      %get3A_152 = arith.constant 1 : i32
      %get3A_153 = arith.constant 2 : i32
      %get3A_154 = arith.index_cast %get3A_152 : i32 to index
      %get3A_155 = arith.index_cast %get3A_153 : i32 to index
      %get3A_156 = arith.constant 0 : index
      %get3A_157 = tpu.vector_load %arg13[%get3A_154, %get3A_155, %get3A_156] {strides = array<i32>} : memref<16x3x16xf32, #tpu.memory_space<vmem>>, vector<16xf32>,
      %add3A_158 = arith.addf %add3A_137, %get3A_157 : vector<16xf32>
      %get3A_159 = arith.constant 2 : i32
      %get3A_160 = arith.constant 0 : i32
      %get3A_161 = arith.index_cast %get3A_159 : i32 to index
      %get3A_162 = arith.index_cast %get3A_160 : i32 to index
      %get3A_163 = arith.constant 0 : index
      %get3A_164 = tpu.vector_load %arg13[%get3A_161, %get3A_162, %get3A_163] {strides = array<i32>} : memref<16x3x16xf32, #tpu.memory_space<vmem>>, vector<16xf32>,
      %add3A_165 = arith.addf %add3A_144, %get3A_164 : vector<16xf32>
      %get3A_166 = arith.constant 2 : i32
      %get3A_167 = arith.constant 1 : i32
      %get3A_168 = arith.index_cast %get3A_166 : i32 to index
      %get3A_169 = arith.index_cast %get3A_167 : i32 to index
      %get3A_170 = arith.constant 0 : index
      %get3A_171 = tpu.vector_load %arg13[%get3A_168, %get3A_169, %get3A_170] {strides = array<i32>} : memref<16x3x16xf32, #tpu.memory_space<vmem>>, vector<16xf32>,
      %add3A_172 = arith.addf %add3A_151, %get3A_171 : vector<16xf32>
      %get3A_173 = arith.constant 2 : i32
      %get3A_174 = arith.constant 2 : i32
      %get3A_175 = arith.index_cast %get3A_173 : i32 to index
      %get3A_176 = arith.index_cast %get3A_174 : i32 to index
      %get3A_177 = arith.constant 0 : index
      %get3A_178 = tpu.vector_load %arg13[%get3A_175, %get3A_176, %get3A_177] {strides = array<i32>} : memref<16x3x16xf32, #tpu.memory_space<vmem>>, vector<16xf32>,
      %add3A_179 = arith.addf %add3A_158, %get3A_178 : vector<16xf32>
      %get3A_180 = arith.constant 3 : i32
      %get3A_181 = arith.constant 0 : i32
      %get3A_182 = arith.index_cast %get3A_180 : i32 to index
      %get3A_183 = arith.index_cast %get3A_181 : i32 to index
      %get3A_184 = arith.constant 0 : index
      %get3A_185 = tpu.vector_load %arg13[%get3A_182, %get3A_183, %get3A_184] {strides = array<i32>} : memref<16x3x16xf32, #tpu.memory_space<vmem>>, vector<16xf32>,
      %add3A_186 = arith.addf %add3A_165, %get3A_185 : vector<16xf32>
      %get3A_187 = arith.constant 3 : i32
      %get3A_188 = arith.constant 1 : i32
      %get3A_189 = arith.index_cast %get3A_187 : i32 to index
      %get3A_190 = arith.index_cast %get3A_188 : i32 to index
      %get3A_191 = arith.constant 0 : index
      %get3A_192 = tpu.vector_load %arg13[%get3A_189, %get3A_190, %get3A_191] {strides = array<i32>} : memref<16x3x16xf32, #tpu.memory_space<vmem>>, vector<16xf32>,
      %add3A_193 = arith.addf %add3A_172, %get3A_192 : vector<16xf32>
      %get3A_194 = arith.constant 3 : i32
      %get3A_195 = arith.constant 2 : i32
      %get3A_196 = arith.index_cast %get3A_194 : i32 to index
      %get3A_197 = arith.index_cast %get3A_195 : i32 to index
      %get3A_198 = arith.constant 0 : index
      %get3A_199 = tpu.vector_load %arg13[%get3A_196, %get3A_197, %get3A_198] {strides = array<i32>} : memref<16x3x16xf32, #tpu.memory_space<vmem>>, vector<16xf32>,
      %add3A_200 = arith.addf %add3A_179, %get3A_199 : vector<16xf32>
      %get3A_201 = arith.constant 4 : i32
      %get3A_202 = arith.constant 0 : i32
      %get3A_203 = arith.index_cast %get3A_201 : i32 to index
      %get3A_204 = arith.index_cast %get3A_202 : i32 to index
      %get3A_205 = arith.constant 0 : index
      %get3A_206 = tpu.vector_load %arg13[%get3A_203, %get3A_204, %get3A_205] {strides = array<i32>} : memref<16x3x16xf32, #tpu.memory_space<vmem>>, vector<16xf32>,
      %add3A_207 = arith.addf %add3A_186, %get3A_206 : vector<16xf32>
      %get3A_208 = arith.constant 4 : i32
      %get3A_209 = arith.constant 1 : i32
      %get3A_210 = arith.index_cast %get3A_208 : i32 to index
      %get3A_211 = arith.index_cast %get3A_209 : i32 to index
      %get3A_212 = arith.constant 0 : index
      %get3A_213 = tpu.vector_load %arg13[%get3A_210, %get3A_211, %get3A_212] {strides = array<i32>} : memref<16x3x16xf32, #tpu.memory_space<vmem>>, vector<16xf32>,
      %add3A_214 = arith.addf %add3A_193, %get3A_213 : vector<16xf32>
      %get3A_215 = arith.constant 4 : i32
      %get3A_216 = arith.constant 2 : i32
      %get3A_217 = arith.index_cast %get3A_215 : i32 to index
      %get3A_218 = arith.index_cast %get3A_216 : i32 to index
      %get3A_219 = arith.constant 0 : index
      %get3A_220 = tpu.vector_load %arg13[%get3A_217, %get3A_218, %get3A_219] {strides = array<i32>} : memref<16x3x16xf32, #tpu.memory_space<vmem>>, vector<16xf32>,
      %add3A_221 = arith.addf %add3A_200, %get3A_220 : vector<16xf32>
      %get3A_222 = arith.constant 5 : i32
      %get3A_223 = arith.constant 0 : i32
      %get3A_224 = arith.index_cast %get3A_222 : i32 to index
      %get3A_225 = arith.index_cast %get3A_223 : i32 to index
      %get3A_226 = arith.constant 0 : index
      %get3A_227 = tpu.vector_load %arg13[%get3A_224, %get3A_225, %get3A_226] {strides = array<i32>} : memref<16x3x16xf32, #tpu.memory_space<vmem>>, vector<16xf32>,
      %add3A_228 = arith.addf %add3A_207, %get3A_227 : vector<16xf32>
      %get3A_229 = arith.constant 5 : i32
      %get3A_230 = arith.constant 1 : i32
      %get3A_231 = arith.index_cast %get3A_229 : i32 to index
      %get3A_232 = arith.index_cast %get3A_230 : i32 to index
      %get3A_233 = arith.constant 0 : index
      %get3A_234 = tpu.vector_load %arg13[%get3A_231, %get3A_232, %get3A_233] {strides = array<i32>} : memref<16x3x16xf32, #tpu.memory_space<vmem>>, vector<16xf32>,
      %add3A_235 = arith.addf %add3A_214, %get3A_234 : vector<16xf32>
      %get3A_236 = arith.constant 5 : i32
      %get3A_237 = arith.constant 2 : i32
      %get3A_238 = arith.index_cast %get3A_236 : i32 to index
      %get3A_239 = arith.index_cast %get3A_237 : i32 to index
      %get3A_240 = arith.constant 0 : index
      %get3A_241 = tpu.vector_load %arg13[%get3A_238, %get3A_239, %get3A_240] {strides = array<i32>} : memref<16x3x16xf32, #tpu.memory_space<vmem>>, vector<16xf32>,
      %add3A_242 = arith.addf %add3A_221, %get3A_241 : vector<16xf32>
      %get3A_243 = arith.constant 6 : i32
      %get3A_244 = arith.constant 0 : i32
      %get3A_245 = arith.index_cast %get3A_243 : i32 to index
      %get3A_246 = arith.index_cast %get3A_244 : i32 to index
      %get3A_247 = arith.constant 0 : index
      %get3A_248 = tpu.vector_load %arg13[%get3A_245, %get3A_246, %get3A_247] {strides = array<i32>} : memref<16x3x16xf32, #tpu.memory_space<vmem>>, vector<16xf32>,
      %add3A_249 = arith.addf %add3A_228, %get3A_248 : vector<16xf32>
      %get3A_250 = arith.constant 6 : i32
      %get3A_251 = arith.constant 1 : i32
      %get3A_252 = arith.index_cast %get3A_250 : i32 to index
      %get3A_253 = arith.index_cast %get3A_251 : i32 to index
      %get3A_254 = arith.constant 0 : index
      %get3A_255 = tpu.vector_load %arg13[%get3A_252, %get3A_253, %get3A_254] {strides = array<i32>} : memref<16x3x16xf32, #tpu.memory_space<vmem>>, vector<16xf32>,
      %add3A_256 = arith.addf %add3A_235, %get3A_255 : vector<16xf32>
      %get3A_257 = arith.constant 6 : i32
      %get3A_258 = arith.constant 2 : i32
      %get3A_259 = arith.index_cast %get3A_257 : i32 to index
      %get3A_260 = arith.index_cast %get3A_258 : i32 to index
      %get3A_261 = arith.constant 0 : index
      %get3A_262 = tpu.vector_load %arg13[%get3A_259, %get3A_260, %get3A_261] {strides = array<i32>} : memref<16x3x16xf32, #tpu.memory_space<vmem>>, vector<16xf32>,
      %add3A_263 = arith.addf %add3A_242, %get3A_262 : vector<16xf32>
      %get3A_264 = arith.constant 7 : i32
      %get3A_265 = arith.constant 0 : i32
      %get3A_266 = arith.index_cast %get3A_264 : i32 to index
      %get3A_267 = arith.index_cast %get3A_265 : i32 to index
      %get3A_268 = arith.constant 0 : index
      %get3A_269 = tpu.vector_load %arg13[%get3A_266, %get3A_267, %get3A_268] {strides = array<i32>} : memref<16x3x16xf32, #tpu.memory_space<vmem>>, vector<16xf32>,
      %add3A_270 = arith.addf %add3A_249, %get3A_269 : vector<16xf32>
      %get3A_271 = arith.constant 7 : i32
      %get3A_272 = arith.constant 1 : i32
      %get3A_273 = arith.index_cast %get3A_271 : i32 to index
      %get3A_274 = arith.index_cast %get3A_272 : i32 to index
      %get3A_275 = arith.constant 0 : index
      %get3A_276 = tpu.vector_load %arg13[%get3A_273, %get3A_274, %get3A_275] {strides = array<i32>} : memref<16x3x16xf32, #tpu.memory_space<vmem>>, vector<16xf32>,
      %add3A_277 = arith.addf %add3A_256, %get3A_276 : vector<16xf32>
      %get3A_278 = arith.constant 7 : i32
      %get3A_279 = arith.constant 2 : i32
      %get3A_280 = arith.index_cast %get3A_278 : i32 to index
      %get3A_281 = arith.index_cast %get3A_279 : i32 to index
      %get3A_282 = arith.constant 0 : index
      %get3A_283 = tpu.vector_load %arg13[%get3A_280, %get3A_281, %get3A_282] {strides = array<i32>} : memref<16x3x16xf32, #tpu.memory_space<vmem>>, vector<16xf32>,
      %add3A_284 = arith.addf %add3A_263, %get3A_283 : vector<16xf32>
      %get3A_285 = arith.constant 8 : i32
      %get3A_286 = arith.constant 0 : i32
      %get3A_287 = arith.index_cast %get3A_285 : i32 to index
      %get3A_288 = arith.index_cast %get3A_286 : i32 to index
      %get3A_289 = arith.constant 0 : index
      %get3A_290 = tpu.vector_load %arg13[%get3A_287, %get3A_288, %get3A_289] {strides = array<i32>} : memref<16x3x16xf32, #tpu.memory_space<vmem>>, vector<16xf32>,
      %add3A_291 = arith.addf %add3A_270, %get3A_290 : vector<16xf32>
      %get3A_292 = arith.constant 8 : i32
      %get3A_293 = arith.constant 1 : i32
      %get3A_294 = arith.index_cast %get3A_292 : i32 to index
      %get3A_295 = arith.index_cast %get3A_293 : i32 to index
      %get3A_296 = arith.constant 0 : index
      %get3A_297 = tpu.vector_load %arg13[%get3A_294, %get3A_295, %get3A_296] {strides = array<i32>} : memref<16x3x16xf32, #tpu.memory_space<vmem>>, vector<16xf32>,
      %add3A_298 = arith.addf %add3A_277, %get3A_297 : vector<16xf32>
      %get3A_299 = arith.constant 8 : i32
      %get3A_300 = arith.constant 2 : i32
      %get3A_301 = arith.index_cast %get3A_299 : i32 to index
      %get3A_302 = arith.index_cast %get3A_300 : i32 to index
      %get3A_303 = arith.constant 0 : index
      %get3A_304 = tpu.vector_load %arg13[%get3A_301, %get3A_302, %get3A_303] {strides = array<i32>} : memref<16x3x16xf32, #tpu.memory_space<vmem>>, vector<16xf32>,
      %add3A_305 = arith.addf %add3A_284, %get3A_304 : vector<16xf32>
      %get3A_306 = arith.constant 9 : i32
      %get3A_307 = arith.constant 0 : i32
      %get3A_308 = arith.index_cast %get3A_306 : i32 to index
      %get3A_309 = arith.index_cast %get3A_307 : i32 to index
      %get3A_310 = arith.constant 0 : index
      %get3A_311 = tpu.vector_load %arg13[%get3A_308, %get3A_309, %get3A_310] {strides = array<i32>} : memref<16x3x16xf32, #tpu.memory_space<vmem>>, vector<16xf32>,
      %add3A_312 = arith.addf %add3A_291, %get3A_311 : vector<16xf32>
      %get3A_313 = arith.constant 9 : i32
      %get3A_314 = arith.constant 1 : i32
      %get3A_315 = arith.index_cast %get3A_313 : i32 to index
      %get3A_316 = arith.index_cast %get3A_314 : i32 to index
      %get3A_317 = arith.constant 0 : index
      %get3A_318 = tpu.vector_load %arg13[%get3A_315, %get3A_316, %get3A_317] {strides = array<i32>} : memref<16x3x16xf32, #tpu.memory_space<vmem>>, vector<16xf32>,
      %add3A_319 = arith.addf %add3A_298, %get3A_318 : vector<16xf32>
      %get3A_320 = arith.constant 9 : i32
      %get3A_321 = arith.constant 2 : i32
      %get3A_322 = arith.index_cast %get3A_320 : i32 to index
      %get3A_323 = arith.index_cast %get3A_321 : i32 to index
      %get3A_324 = arith.constant 0 : index
      %get3A_325 = tpu.vector_load %arg13[%get3A_322, %get3A_323, %get3A_324] {strides = array<i32>} : memref<16x3x16xf32, #tpu.memory_space<vmem>>, vector<16xf32>,
      %add3A_326 = arith.addf %add3A_305, %get3A_325 : vector<16xf32>
      %get3A_327 = arith.constant 10 : i32
      %get3A_328 = arith.constant 0 : i32
      %get3A_329 = arith.index_cast %get3A_327 : i32 to index
      %get3A_330 = arith.index_cast %get3A_328 : i32 to index
      %get3A_331 = arith.constant 0 : index
      %get3A_332 = tpu.vector_load %arg13[%get3A_329, %get3A_330, %get3A_331] {strides = array<i32>} : memref<16x3x16xf32, #tpu.memory_space<vmem>>, vector<16xf32>,
      %add3A_333 = arith.addf %add3A_312, %get3A_332 : vector<16xf32>
      %get3A_334 = arith.constant 10 : i32
      %get3A_335 = arith.constant 1 : i32
      %get3A_336 = arith.index_cast %get3A_334 : i32 to index
      %get3A_337 = arith.index_cast %get3A_335 : i32 to index
      %get3A_338 = arith.constant 0 : index
      %get3A_339 = tpu.vector_load %arg13[%get3A_336, %get3A_337, %get3A_338] {strides = array<i32>} : memref<16x3x16xf32, #tpu.memory_space<vmem>>, vector<16xf32>,
      %add3A_340 = arith.addf %add3A_319, %get3A_339 : vector<16xf32>
      %get3A_341 = arith.constant 10 : i32
      %get3A_342 = arith.constant 2 : i32
      %get3A_343 = arith.index_cast %get3A_341 : i32 to index
      %get3A_344 = arith.index_cast %get3A_342 : i32 to index
      %get3A_345 = arith.constant 0 : index
      %get3A_346 = tpu.vector_load %arg13[%get3A_343, %get3A_344, %get3A_345] {strides = array<i32>} : memref<16x3x16xf32, #tpu.memory_space<vmem>>, vector<16xf32>,
      %add3A_347 = arith.addf %add3A_326, %get3A_346 : vector<16xf32>
      %get3A_348 = arith.constant 11 : i32
      %get3A_349 = arith.constant 0 : i32
      %get3A_350 = arith.index_cast %get3A_348 : i32 to index
      %get3A_351 = arith.index_cast %get3A_349 : i32 to index
      %get3A_352 = arith.constant 0 : index
      %get3A_353 = tpu.vector_load %arg13[%get3A_350, %get3A_351, %get3A_352] {strides = array<i32>} : memref<16x3x16xf32, #tpu.memory_space<vmem>>, vector<16xf32>,
      %add3A_354 = arith.addf %add3A_333, %get3A_353 : vector<16xf32>
      %get3A_355 = arith.constant 11 : i32
      %get3A_356 = arith.constant 1 : i32
      %get3A_357 = arith.index_cast %get3A_355 : i32 to index
      %get3A_358 = arith.index_cast %get3A_356 : i32 to index
      %get3A_359 = arith.constant 0 : index
      %get3A_360 = tpu.vector_load %arg13[%get3A_357, %get3A_358, %get3A_359] {strides = array<i32>} : memref<16x3x16xf32, #tpu.memory_space<vmem>>, vector<16xf32>,
      %add3A_361 = arith.addf %add3A_340, %get3A_360 : vector<16xf32>
      %get3A_362 = arith.constant 11 : i32
      %get3A_363 = arith.constant 2 : i32
      %get3A_364 = arith.index_cast %get3A_362 : i32 to index
      %get3A_365 = arith.index_cast %get3A_363 : i32 to index
      %get3A_366 = arith.constant 0 : index
      %get3A_367 = tpu.vector_load %arg13[%get3A_364, %get3A_365, %get3A_366] {strides = array<i32>} : memref<16x3x16xf32, #tpu.memory_space<vmem>>, vector<16xf32>,
      %add3A_368 = arith.addf %add3A_347, %get3A_367 : vector<16xf32>
      %get3A_369 = arith.constant 12 : i32
      %get3A_370 = arith.constant 0 : i32
      %get3A_371 = arith.index_cast %get3A_369 : i32 to index
      %get3A_372 = arith.index_cast %get3A_370 : i32 to index
      %get3A_373 = arith.constant 0 : index
      %get3A_374 = tpu.vector_load %arg13[%get3A_371, %get3A_372, %get3A_373] {strides = array<i32>} : memref<16x3x16xf32, #tpu.memory_space<vmem>>, vector<16xf32>,
      %add3A_375 = arith.addf %add3A_354, %get3A_374 : vector<16xf32>
      %get3A_376 = arith.constant 12 : i32
      %get3A_377 = arith.constant 1 : i32
      %get3A_378 = arith.index_cast %get3A_376 : i32 to index
      %get3A_379 = arith.index_cast %get3A_377 : i32 to index
      %get3A_380 = arith.constant 0 : index
      %get3A_381 = tpu.vector_load %arg13[%get3A_378, %get3A_379, %get3A_380] {strides = array<i32>} : memref<16x3x16xf32, #tpu.memory_space<vmem>>, vector<16xf32>,
      %add3A_382 = arith.addf %add3A_361, %get3A_381 : vector<16xf32>
      %get3A_383 = arith.constant 12 : i32
      %get3A_384 = arith.constant 2 : i32
      %get3A_385 = arith.index_cast %get3A_383 : i32 to index
      %get3A_386 = arith.index_cast %get3A_384 : i32 to index
      %get3A_387 = arith.constant 0 : index
      %get3A_388 = tpu.vector_load %arg13[%get3A_385, %get3A_386, %get3A_387] {strides = array<i32>} : memref<16x3x16xf32, #tpu.memory_space<vmem>>, vector<16xf32>,
      %add3A_389 = arith.addf %add3A_368, %get3A_388 : vector<16xf32>
      %get3A_390 = arith.constant 13 : i32
      %get3A_391 = arith.constant 0 : i32
      %get3A_392 = arith.index_cast %get3A_390 : i32 to index
      %get3A_393 = arith.index_cast %get3A_391 : i32 to index
      %get3A_394 = arith.constant 0 : index
      %get3A_395 = tpu.vector_load %arg13[%get3A_392, %get3A_393, %get3A_394] {strides = array<i32>} : memref<16x3x16xf32, #tpu.memory_space<vmem>>, vector<16xf32>,
      %add3A_396 = arith.addf %add3A_375, %get3A_395 : vector<16xf32>
      %get3A_397 = arith.constant 13 : i32
      %get3A_398 = arith.constant 1 : i32
      %get3A_399 = arith.index_cast %get3A_397 : i32 to index
      %get3A_400 = arith.index_cast %get3A_398 : i32 to index
      %get3A_401 = arith.constant 0 : index
      %get3A_402 = tpu.vector_load %arg13[%get3A_399, %get3A_400, %get3A_401] {strides = array<i32>} : memref<16x3x16xf32, #tpu.memory_space<vmem>>, vector<16xf32>,
      %add3A_403 = arith.addf %add3A_382, %get3A_402 : vector<16xf32>
      %get3A_404 = arith.constant 13 : i32
      %get3A_405 = arith.constant 2 : i32
      %get3A_406 = arith.index_cast %get3A_404 : i32 to index
      %get3A_407 = arith.index_cast %get3A_405 : i32 to index
      %get3A_408 = arith.constant 0 : index
      %get3A_409 = tpu.vector_load %arg13[%get3A_406, %get3A_407, %get3A_408] {strides = array<i32>} : memref<16x3x16xf32, #tpu.memory_space<vmem>>, vector<16xf32>,
      %add3A_410 = arith.addf %add3A_389, %get3A_409 : vector<16xf32>
      %get3A_411 = arith.constant 14 : i32
      %get3A_412 = arith.constant 0 : i32
      %get3A_413 = arith.index_cast %get3A_411 : i32 to index
      %get3A_414 = arith.index_cast %get3A_412 : i32 to index
      %get3A_415 = arith.constant 0 : index
      %get3A_416 = tpu.vector_load %arg13[%get3A_413, %get3A_414, %get3A_415] {strides = array<i32>} : memref<16x3x16xf32, #tpu.memory_space<vmem>>, vector<16xf32>,
      %add3A_417 = arith.addf %add3A_396, %get3A_416 : vector<16xf32>
      %get3A_418 = arith.constant 14 : i32
      %get3A_419 = arith.constant 1 : i32
      %get3A_420 = arith.index_cast %get3A_418 : i32 to index
      %get3A_421 = arith.index_cast %get3A_419 : i32 to index
      %get3A_422 = arith.constant 0 : index
      %get3A_423 = tpu.vector_load %arg13[%get3A_420, %get3A_421, %get3A_422] {strides = array<i32>} : memref<16x3x16xf32, #tpu.memory_space<vmem>>, vector<16xf32>,
      %add3A_424 = arith.addf %add3A_403, %get3A_423 : vector<16xf32>
      %get3A_425 = arith.constant 14 : i32
      %get3A_426 = arith.constant 2 : i32
      %get3A_427 = arith.index_cast %get3A_425 : i32 to index
      %get3A_428 = arith.index_cast %get3A_426 : i32 to index
      %get3A_429 = arith.constant 0 : index
      %get3A_430 = tpu.vector_load %arg13[%get3A_427, %get3A_428, %get3A_429] {strides = array<i32>} : memref<16x3x16xf32, #tpu.memory_space<vmem>>, vector<16xf32>,
      %add3A_431 = arith.addf %add3A_410, %get3A_430 : vector<16xf32>
      %get3A_432 = arith.constant 15 : i32
      %get3A_433 = arith.constant 0 : i32
      %get3A_434 = arith.index_cast %get3A_432 : i32 to index
      %get3A_435 = arith.index_cast %get3A_433 : i32 to index
      %get3A_436 = arith.constant 0 : index
      %get3A_437 = tpu.vector_load %arg13[%get3A_434, %get3A_435, %get3A_436] {strides = array<i32>} : memref<16x3x16xf32, #tpu.memory_space<vmem>>, vector<16xf32>,
      %add3A_438 = arith.addf %add3A_417, %get3A_437 : vector<16xf32>
      %get3A_439 = arith.constant 15 : i32
      %get3A_440 = arith.constant 1 : i32
      %get3A_441 = arith.index_cast %get3A_439 : i32 to index
      %get3A_442 = arith.index_cast %get3A_440 : i32 to index
      %get3A_443 = arith.constant 0 : index
      %get3A_444 = tpu.vector_load %arg13[%get3A_441, %get3A_442, %get3A_443] {strides = array<i32>} : memref<16x3x16xf32, #tpu.memory_space<vmem>>, vector<16xf32>,
      %add3A_445 = arith.addf %add3A_424, %get3A_444 : vector<16xf32>
      %get3A_446 = arith.constant 15 : i32
      %get3A_447 = arith.constant 2 : i32
      %get3A_448 = arith.index_cast %get3A_446 : i32 to index
      %get3A_449 = arith.index_cast %get3A_447 : i32 to index
      %get3A_450 = arith.constant 0 : index
      %get3A_451 = tpu.vector_load %arg13[%get3A_448, %get3A_449, %get3A_450] {strides = array<i32>} : memref<16x3x16xf32, #tpu.memory_space<vmem>>, vector<16xf32>,
      %add3A_452 = arith.addf %add3A_431, %get3A_451 : vector<16xf32>
      %neg3A = arith.constant 0.000000e+00 : f32
      %neg3A_453 = vector.broadcast %neg3A : f32 to vector<16xf32>
      %neg3A_454 = arith.subf %neg3A_453, %add3A_438 : vector<16xf32>
      %sub3A_455 = arith.subf %neg3A_454, %add3A_445 : vector<16xf32>
      %add3A_456 = arith.constant 2.048000e+03 : f32
      %add3A_457 = vector.broadcast %add3A_456 : f32 to vector<16xf32>
      %add3A_458 = arith.addf %add3A_452, %add3A_457 : vector<16xf32>
      %div3A_459 = arith.divf %sub3A_455, %add3A_458 : vector<16xf32>
      %mul3A_460 = arith.constant 6.250000e-02 : f32
      %mul3A_461 = vector.broadcast %mul3A_460 : f32 to vector<16xf32>
      %mul3A_462 = arith.mulf %div3A_459, %mul3A_461 : vector<16xf32>
      %swap3A_463 = arith.constant 0 : index
      %swap3A_464 = tpu.vector_load %arg11[%swap3A_463] {strides = array<i32>} : memref<16xf32, #tpu.memory_space<vmem>>, vector<16xf32>,
      tpu.vector_store %arg11[%swap3A_463], %mul3A_462 {strides = array<i32>} : memref<16xf32, #tpu.memory_space<vmem>>, vector<16xf32>,
      "tpu.region"() ({
        %run_scoped3A = tpu.sem_alloc : memref<!tpu.dma_semaphore, #tpu.memory_space<semaphore_mem>>
        %dma_start3A_465 = arith.constant 0 : i32
        %dma_start3A_466 = tpu.memref_slice %arg5[%arg0, %dma_start3A_465] : memref<2x16xf32, #tpu.memory_space<hbm>> -> memref<1x16xf32, #tpu.memory_space<hbm>>
        %dma_start3A_467 = tpu.memref_squeeze %dma_start3A_466 : memref<1x16xf32, #tpu.memory_space<hbm>> -> memref<16xf32, #tpu.memory_space<hbm>>
        %dma_start3A_468 = arith.constant 0 : i32
        %dma_start3A_469 = tpu.memref_slice %arg5[%arg0, %dma_start3A_468] : memref<2x16xf32, #tpu.memory_space<hbm>> -> memref<1x16xf32, #tpu.memory_space<hbm>>
        %dma_start3A_470 = tpu.memref_squeeze %dma_start3A_469 : memref<1x16xf32, #tpu.memory_space<hbm>> -> memref<16xf32, #tpu.memory_space<hbm>>
        tpu.enqueue_dma source(%arg11 : memref<16xf32, #tpu.memory_space<vmem>>) target(%dma_start3A_470 : memref<16xf32, #tpu.memory_space<hbm>>) target_semaphore(%run_scoped3A : memref<!tpu.dma_semaphore, #tpu.memory_space<semaphore_mem>>)
        %dma_wait3A = arith.constant 0 : i32
        %dma_wait3A_471 = tpu.memref_slice %arg5[%arg0, %dma_wait3A] : memref<2x16xf32, #tpu.memory_space<hbm>> -> memref<1x16xf32, #tpu.memory_space<hbm>>
        %dma_wait3A_472 = tpu.memref_squeeze %dma_wait3A_471 : memref<1x16xf32, #tpu.memory_space<hbm>> -> memref<16xf32, #tpu.memory_space<hbm>>
        %dma_wait3A_473 = arith.constant 0 : i32
        %dma_wait3A_474 = tpu.memref_slice %arg5[%arg0, %dma_wait3A_473] : memref<2x16xf32, #tpu.memory_space<hbm>> -> memref<1x16xf32, #tpu.memory_space<hbm>>
        %dma_wait3A_475 = tpu.memref_squeeze %dma_wait3A_474 : memref<1x16xf32, #tpu.memory_space<hbm>> -> memref<16xf32, #tpu.memory_space<hbm>>
        tpu.wait_dma2 semaphore(%run_scoped3A : memref<!tpu.dma_semaphore, #tpu.memory_space<semaphore_mem>>) src(%arg11 : memref<16xf32, #tpu.memory_space<vmem>>) dst(%dma_wait3A_475 : memref<16xf32, #tpu.memory_space<hbm>>)
        tpu.yield
      }) : () -> ()
    } else {
    }
    return
  }
}

</mosaic_0001>

<sc_bundles>
// kernel: _run.3.cloned.1.call-start
scs
__scs_entry_jumppad:
0x0: {  	(pc) =	sbr.rel $0x88, $3  }
0x1: {  	(tag) =	ssettag $0x0;
	lr =	simm.s32 $0x1  }
0x2: {  	[smem:$0x3F9E] =	sst lr;
	_ =	strace $0xD0000000  }
0x3: {  	_ = 	snop  }
0x4: {  	_ = 	snop  }
0x5: {  	_ = 	snop  }
0x6: {  	_ = 	snop  }
0x7: {  	_ = 	snop  }
__scs_overlays_trampoline_lowered:
0x8: {  	[smem:$0x3FAD] =	sst s0  }
0x9: {  	[smem:$0x3FAE] =	sst s1  }
0xa: {  	[smem:$0x3FAF] =	sst s2  }
0xb: {  	[smem:$0x3FB0] =	sst s3  }
0xc: {  	[smem:$0x3FB1] =	sst s4  }
0xd: {  	[smem:$0x3FB2] =	sst s5  }
0xe: {  	[smem:$0x3FB3] =	sst s6  }
0xf: {  	[smem:$0x3FB4] =	sst s7  }
0x10: {  	[smem:$0x3FB5] =	sst s8  }
0x11: {  	[smem:$0x3FB6] =	sst s9;
	s0 =	simm.s32 @!p0 $0x0  }
0x12: {  	s1 =	sld [smem:$0x3F9C];
	s0 =	simm.s32 @p0 $0x1  }
0x13: {  	[smem:$0x3FB7] =	sst s0;
	s0 =	simm.s32 @!p1 $0x0  }
0x14: {  	s2 =	sld [smem:$0x3F9B];
	s0 =	simm.s32 @p1 $0x1  }
0x15: {  	[smem:$0x3FB8] =	sst s0;
	s0 =	simm.s32 @!p2 $0x0  }
0x16: {  	s3 =	sld [smem:$0x3FDB];
	s0 =	simm.s32 @p2 $0x1  }
0x17: {  	s4 =	simm.s32 $0x1BF5;
	[smem:$0x3FBA] =	sst s0  }
0x18: {  	s0 =	sld [smem:$0x3F9D];
	_ =	swait.ge [sflag:s4], $0x0  }
0x19: {  	s7 =	sld [smem:$0x3F9E]  }
0x1a: {  	s8 =	sadd.s32 $0xFFFFE003, lr  }
0x1b: {  	s9 =	sadd.s32 $0xFFFFFEF7, lr;
	s5 =	simm.s32 $0xFFFFFFFF;
	p2 =	slt.u32 s8, $0xFFFFF086  }
0x1c: {  	p1 =	slt.u32 s9, $0xF7A;
	s5 =	simm.s32 @!p2 $0x0  }
0x1d: {  	s5 =	simm.s32 @p1 $0x1;
	p0 =	seq.s32 s7, s2  }
0x1e: {  	s7 =	smul.u32 @!p0 $0xF7A, s2;
	p2 =	seq.s32 @!p0 s5, $0x0  }
0x1f: {  	s9 =	smul.u32 $0xF7A, s1;
	s8 =	simm.s32 @!p0 $0x1BF5;
	p2 =	por !p2, p0  }
0x20: {  	[sflag:s8] =	ssyncset.s32 @!p0 $0xFFFFF086;
	s6 =	sadd.s32 @!p0 s3, s7;
	s7 =	simm.s32 @!p0 $0x108  }
0x21: {  	s3 =	sadd.s32 s3, s9;
	s6 =	sadd.s32 @!p0 $0x88, s6;
	s7 =	simm.s32 @p2 $0x1082  }
0x22: {  	[simem:s7], [sflag:s8] =	dma.local @!p0 [hbm:s6], $0xF7A  }
0x23: {  	s9 =	sor.u32 $0xD0000000, s2;
	s6 =	simm.s32 $0x108;
	_ =	swait.ge @!p0 [sflag:s8], $0x0  }
0x24: {  	s3 =	sadd.s32 $0x88, s3;
	s6 =	simm.s32 @!p1 $0x1082;
	[sflag:s4] =	ssyncset.s32 $0xFFFFF086  }
0x25: {  	[simem:s6], [sflag:s4] =	dma.local [hbm:s3], $0xF7A  }
0x26: {  	[smem:$0x3F9E] =	sst s1;
	(tag) =	ssettag s2;
	_ =	strace s9  }
0x27: {  	s1 =	sld [smem:$0x3FAE]  }
0x28: {  	s2 =	sld [smem:$0x3FAF]  }
0x29: {  	s4 =	sld [smem:$0x3FB1]  }
0x2a: {  	p0 =	seq.s32 s5, $0x0;
	s5 =	sld [smem:$0x3FB2]  }
0x2b: {  	s6 =	sld [smem:$0x3FB3]  }
0x2c: {  	s7 =	sld [smem:$0x3FB4]  }
0x2d: {  	s3 =	simm.s32 $0x108;
	s8 =	sld [smem:$0x3FB5]  }
0x2e: {  	s3 =	simm.s32 @!p0 $0x1082;
	s9 =	sld [smem:$0x3FB6]  }
0x2f: {  	lr =	sadd.s32 s0, s3;
	s0 =	sld [smem:$0x3FAD]  }
0x30: {  	s3 =	sld [smem:$0x3FB0]  }
0x31: {  	[smem:$0x3FB9] =	sst s10  }
0x32: {  	s10 =	sld [smem:$0x3FB7];
	_ =	sdelay $0x3  }
0x33: {  	p0 =	seq.s32 s10, $0x1;
	s10 =	sld [smem:$0x3FB9];
	_ =	sdelay $0x3  }
0x34: {  	[smem:$0x3FB9] =	sst s10  }
0x35: {  	s10 =	sld [smem:$0x3FB8];
	_ =	sdelay $0x3  }
0x36: {  	p1 =	seq.s32 s10, $0x1;
	s10 =	sld [smem:$0x3FB9];
	_ =	sdelay $0x3  }
0x37: {  	[smem:$0x3FB9] =	sst s10  }
0x38: {  	s10 =	sld [smem:$0x3FBA]  }
0x39: {  	_ = 	snop;
	(pc) =	sbr.ind lr, $3  }
0x3a: {  	_ = 	snop  }
0x3b: {  	_ = 	snop  }
0x3c: {  	p2 =	seq.s32 s10, $0x1;
	s10 =	sld [smem:$0x3FB9]  }
0x3d: {  	_ =	shalt  }
0x3e: {  	_ =	shalt  }
0x3f: {  	_ =	shalt  }
0x40: {  	_ =	shalt  }
0x41: {  	_ =	shalt  }
0x42: {  	_ =	shalt  }
0x43: {  	_ =	shalt  }
0x44: {  	_ =	shalt  }
0x45: {  	_ =	shalt  }
0x46: {  	_ =	shalt  }
0x47: {  	_ =	shalt  }
0x48: {  	_ =	shalt  }
0x49: {  	_ =	shalt  }
0x4a: {  	_ =	shalt  }
0x4b: {  	_ =	shalt  }
0x4c: {  	_ =	shalt  }
0x4d: {  	_ =	shalt  }
0x4e: {  	_ =	shalt  }
0x4f: {  	_ =	shalt  }
0x50: {  	_ =	shalt  }
0x51: {  	_ =	shalt  }
0x52: {  	_ =	shalt  }
0x53: {  	_ =	shalt  }
0x54: {  	_ =	shalt  }
0x55: {  	_ =	shalt  }
0x56: {  	_ =	shalt  }
0x57: {  	_ =	shalt  }
0x58: {  	_ =	shalt  }
0x59: {  	_ =	shalt  }
0x5a: {  	_ =	shalt  }
0x5b: {  	_ =	shalt  }
0x5c: {  	_ =	shalt  }
0x5d: {  	_ =	shalt  }
0x5e: {  	_ =	shalt  }
0x5f: {  	_ =	shalt  }
0x60: {  	_ =	shalt  }
0x61: {  	_ =	shalt  }
0x62: {  	_ =	shalt  }
0x63: {  	_ =	shalt  }
0x64: {  	_ =	shalt  }
0x65: {  	_ =	shalt  }
0x66: {  	_ =	shalt  }
0x67: {  	_ =	shalt  }
0x68: {  	_ =	shalt  }
0x69: {  	_ =	shalt  }
0x6a: {  	_ =	shalt  }
0x6b: {  	_ =	shalt  }
0x6c: {  	_ =	shalt  }
0x6d: {  	_ =	shalt  }
0x6e: {  	_ =	shalt  }
0x6f: {  	_ =	shalt  }
0x70: {  	_ =	shalt  }
0x71: {  	_ =	shalt  }
0x72: {  	_ =	shalt  }
0x73: {  	_ =	shalt  }
0x74: {  	_ =	shalt  }
0x75: {  	_ =	shalt  }
0x76: {  	_ =	shalt  }
0x77: {  	_ =	shalt  }
0x78: {  	_ =	shalt  }
0x79: {  	_ =	shalt  }
0x7a: {  	_ =	shalt  }
0x7b: {  	_ =	shalt  }
0x7c: {  	_ =	shalt  }
0x7d: {  	_ =	shalt  }
0x7e: {  	_ =	shalt  }
0x7f: {  	_ =	shalt  }
0x80: {  	_ =	shalt  }
0x81: {  	_ =	shalt  }
0x82: {  	_ =	shalt  }
0x83: {  	_ =	shalt  }
0x84: {  	_ =	shalt  }
0x85: {  	_ =	shalt  }
0x86: {  	_ =	shalt  }
0x87: {  	_ =	shalt  }
.Lfunc_end0:
.L_simem_size_0:
called_computation_lowered:
.L_overlay_start_0:
0x88: {  	s2 =	sld [smem:$0x3FD9]  }
0x89: {  	s3 =	sld [smem:$0x3FFE];
	_ =	sdelay $0x1  }
0x8a: {  	s1 =	srdreg.scid  }
0x8b: {  	s0 =	sand.u32 $0x1, s1  }
0x8c: {  	s16 =	sshll.u32 s0, $0xA;
	s2 =	sadd.s32 s3, s2  }
0x8d: {  	s2 =	sadd.s32 s2, s16  }
0x8e: {  	[smem:$0x3FC5] =	sst s2  }
0x8f: {  	_ = 	snop  }
0x90: {  	(tm) =	ssettm $0x1  }
0x91: {  	s17 =	sld [smem:$0x3FFB];
	_ =	sdelay $0x3  }
0x92: {  	_ =	strace s17  }
0x93: {  	s2 =	sld [smem:$0x3FFC];
	_ =	sdelay $0x3  }
0x94: {  	_ =	strace s2  }
0x95: {  	s2 =	sld [smem:$0x3FFD];
	_ =	sdelay $0x3  }
0x96: {  	_ =	strace s2  }
0x97: {  	_ =	strace $0x8FFFFFFF  }
0x98: {  	s18 =	sld [smem:$0x3FDB];
	_ =	sdelay $0x1  }
0x99: {  	s19 =	simm.s32 $_scs_section_size  }
0x9a: {  	s4 =	simm.s32 $_size__tile_overlayer_lowered;
	s5 =	simm.s32 $_tile_overlayer_lowered  }
0x9b: {  	s22 =	simm.s32 $0x1BFF;
	s21 =	sshll.u32 s5, $0x1;
	s2 =	sadd.s32 s19, s18  }
0x9c: {  	s6 =	simm.s32 $0x0;
	s20 =	sshll.u32 s4, $0x1;
	s4 =	sadd.s32 s21, s2  }
0x9d: {  	[timem:s6], [sflag:s22] =	dma.local [hbm:s4], s20  }
0x9e: {  	_ =	swait.ge [sflag:s22], s20  }
0x9f: {  	s3 =	ssub.s32 $0x0, s20;
	[sflag:s22] =	ssyncset.done $0x0  }
0xa0: {  	[sflag:s22] =	ssyncadd.s32 s3;
	_ =	sdelay $0x1  }
0xa1: {  	s23 =	simm.s32 $0x1B8B  }
0xa2: {  	_ =	swait.ge [sflag:s23], $0x1  }
0xa3: {  	[sflag:s23] =	ssyncset.done $0x0  }
0xa4: {  	s25 =	simm.s32 $0x1B8E;
	s24 =	sld [smem:$0x3FFE];
	[sflag:s23] =	ssyncadd.s32 $0xFFFFFFFF  }
0xa5: {  	s26 =	simm.s32 $execute0_lowered;
	[smem:$0x3FD2] =	sst s25  }
0xa6: {  	s4 =	sshll.u32 s26, $0x1;
	_ =	strace $0x80000046;
	[dreg:$0x1] =	wrdreg $0xFFFFFFFF  }
0xa7: {  	s28 =	simm.s32 $_size_execute0_lowered;
	s2 =	sadd.s32 s2, s4;
	[dreg:$0x0] =	wrdreg $0x0  }
0xa8: {  	s4 =	sshll.u32 s28, $0x1;
	[dreg:$0x2] =	wrdreg s2  }
0xa9: {  	[dreg:$0x3] =	wrdreg s4  }
0xaa: {  	[dreg:$0x4] =	wrdreg $0xC0  }
0xab: {  	_ =	task [dreg:s6], $0x5FFFF  }
0xac: {  	[dreg:$0x1] =	wrdreg $0xFFFFFFFF  }
0xad: {  	[dreg:$0x0] =	wrdreg $0x60  }
0xae: {  	[dreg:$0x2] =	wrdreg s24  }
0xaf: {  	[dreg:$0x3] =	wrdreg $0x10D400  }
0xb0: {  	[dreg:$0x4] =	wrdreg $0x9  }
0xb1: {  	_ =	task.clear_ibuf [dreg:s6], $0x5FFFF;
	_ =	strace $0x90000046  }
0xb2: {  	s29 =	simm.s32 $0x9;
	_ =	strace $0x80000048  }
0xb3: {  	_ =	swait.ge [sflag:s29], $0x1  }
0xb4: {  	[sflag:s29] =	ssyncadd.s32 $0xFFFFFFFF  }
0xb5: {  	_ =	strace $0x90000048  }
0xb6: {  	_ =	sfence  }
0xb7: {  	s30 =	sld [smem:$0x0];
	_ =	sdelay $0x2  }
0xb8: {  	s31 =	sshll.u32 s1, $0xD;
	s1 =	sshrl.u32 s1, $0x2  }
0xb9: {  	s3 =	sand.u32 $0x4000, s31;
	s1 =	sadd.s32 s1, s30  }
0xba: {  	s0 =	sor.u32 s3, s0;
	s1 =	sshll.u32 s1, $0x11  }
0xbb: {  	s0 =	sor.u32 s1, s0  }
0xbc: {  	s0 =	sadd.s32 $0x8F2B, s0  }
0xbd: {  	[sflag:s0] =	ssyncadd.remote.s32 $0x1  }
0xbe: {  	_ =	sfence.sel $0xFFFF  }
0xbf: {  	[dreg:$0x0] =	wrdreg $0xFFFFFFFF;
	(pc) =	sbr.abs _section_cstart, $3  }
0xc0: {  	[dreg:$0x1] =	wrdreg $0xFFFFFFFF  }
0xc1: {  	_ =	task.clear_ibuf [dreg:s6], $0x2FFFF;
	_ =	strace $0x9FFFFFFF  }
0xc2: {  	(tm) =	ssettm $0x7FFFFFFF  }
0xc3: {  	_ =	shalt  }
tec
execute0_lowered:
.L_overlay_start_1:
0x0: {  	(tag) =	ssettag $0x1  }
0x1: {  	s0 =	srdreg.scid;
	s4 =	rddreg [dreg:$0x0]  }
0x2: {  	s21 =	stileid.u32;
	s1 =	rddreg [dreg:$0x1]  }
0x3: {  	s15 =	simm.s32 $0x400;
	s16 =	simm.s32 $0x800;
	s18 =	simm.s32 $0x8C80  }
0x4: {  	s19 =	simm.s32 $0x1;
	s20 =	simm.s32 $0x2;
	s22 =	simm.s32 $0x10D70  }
0x5: {  	s6 =	sand.u32 $0x1, s0;
	s7 =	sshrl.u32 s21, $0x1;
	s0 =	rddreg [dreg:$0x2]  }
0x6: {  	s3 =	sshll.u32 s21, $0xA;
	s13 =	sand.u32 $0x1, s21;
	s29 =	smul.u32 $0xC0, s21  }
0x7: {  	p0 =	sne.s32 s21, $0x0;
	s21 =	simm.s32 $0x10D00;
	s2 =	sshll.u32 s6, $0x3  }
0x8: {  	s9 =	sshll.u32 s6, $0x1;
	s10 =	ssub.s32 $0x2, s6;
	s6 =	smul.u32 $0x2024040, s6  }
0x9: {  	s8 =	sand.u32 $0x400, s3;
	s3 =	sadd.s32 $0x2C00, s4;
	s28 =	smul.u32 $0x202000, s13  }
0xa: {  	s17 =	sor.u32 s7, s2;
	s2 =	simm.s32 $0x0;
	s26 =	smul.u32 $0x808, s8  }
0xb: {  	s11 =	sadd.s32 s9, s4;
	s24 =	sshrl.u32 s10, $0x1;
	s7 =	smul.u32 $0x404808, s7  }
0xc: {  	s30 =	sshrl.u32 s29, $0x2;
	s23 =	sshll.u32 s17, $0xB;
	[smem:$0x7FF] =	sst s2  }
0xd: {  	s25 =	smul.u32 $0x404808, s17;
	s12 =	ssub.s32 s10, s24;
	s10 =	sadd.s32 $0x80DE00, s11  }
0xe: {  	v0 =	vmov s17;
	s17 =	simm.s32 $0xC00;
	s24 =	simm.s32 $0x0;
	s5 =	sor.u32 s8, s23  }
0xf: {  	_ =	strace $0x80000047;
	s14 =	sadd.s32 s7, s6;
	s11 =	smax.u32 s12, $0x1  }
0x10: {  	s23 =	simm.s32 $0x10D30;
	s5 =	sshrl.u32 s5, $0x3;
	s8 =	sadd.s32 s8, s25  }
0x11: {  	s9 =	sadd.s32 s26, s25;
	s14 =	sadd.s32 s28, s14;
	s5 =	sadd.s32 s5, s4  }
.Ltmp0:
0x12: {  	s8 =	sadd.s32 $0x404000, s8;
	s31 =	sadd.s32 $0x18180, s14;
	(pc) =	sbr.rel .LBB2_1-.Ltmp0, $4  }
0x13: {  	s9 =	sshrl.u32 s9, $0x3;
	s4 =	sadd.s32 $0x80CE00, s5;
	s5 =	sadd.s32 $0x80BE00, s5  }
0x14: {  	v2 =	vlaneseq.u32;
	s8 =	sshrl.u32 s8, $0x3;
	s7 =	sadd.s32 s3, s9;
	s9 =	sadd.s32 s30, s1  }
0x15: {  	vm0 =	veq.s32 v0, v2;
	v0 =	vimm.s32 $0x0;
	s13 =	sshrl.u32 s31, $0x3;
	s6 =	sadd.s32 s3, s8;
	s8 =	sadd.s32 $0x1010, s7  }
0x16: {  	v2 =	vmul.u32 $0x808, v2;
	v1 =	vsel vm0, $0x3F800000, v0;
	s12 =	sadd.s32 s13, s3;
	s13 =	sadd.s32 $0x10100, s14;
	s14 =	simm.s32 $0x3  }
.LBB2_7:
0x17: {  	s24 =	sadd.s32 $0x1, s24  }
0x18: {  	p1 =	sne.s32 s24, s11  }
.Ltmp1:
0x19: {  	_ = 	snop;
	(pc) =	sbr.rel @!p1 .LBB2_8-.Ltmp1, $1  }
0x1a: {  	_ =	sdelay $0x3  }
.LBB2_1:
0x1b: {  	[tilespmem:s2], [sflag:$0x3] =	stream.linear.gather [hbm4b:s4+s2], $0x400, $0x38;
	[tilespmem:$0x11070] =	vst v63  }
0x1c: {  	_ =	swait.ge [sflag:s14], $0x400  }
0x1d: {  	[sflag:s14] =	ssyncset.done $0x0  }
0x1e: {  	[sflag:s14] =	ssyncadd.s32 $0xFFFFFC00  }
0x1f: {  	[tilespmem:s15], [sflag:$0x3] =	stream.linear.gather [hbm4b:s5+s2], $0x400, $0x38;
	[tilespmem:$0x11070] =	vst v63  }
0x20: {  	_ =	swait.ge [sflag:s14], $0x400  }
0x21: {  	[sflag:s14] =	ssyncset.done $0x0  }
0x22: {  	[sflag:s14] =	ssyncadd.s32 $0xFFFFFC00  }
0x23: {  	[tilespmem:s16], [sflag:$0x3] =	stream.linear.gather [hbm4b:s6+s2], $0x400, $0x38;
	[tilespmem:$0x11070] =	vst v63  }
0x24: {  	_ =	swait.ge [sflag:s14], $0x400  }
0x25: {  	[sflag:s14] =	ssyncset.done $0x0  }
0x26: {  	[sflag:s14] =	ssyncadd.s32 $0xFFFFFC00  }
0x27: {  	[tilespmem:s17], [sflag:$0x1] =	stream.linear.gather [hbm4b:s7+s2], $0x8080, $0x38;
	[tilespmem:$0x11070] =	vst v63  }
0x28: {  	_ = 	snop  }
0x29: {  	[tilespmem:s18], [sflag:$0x2] =	stream.linear.gather [hbm4b:s8+s2], $0x8080, $0x38;
	[tilespmem:$0x11070] =	vst v63  }
0x2a: {  	_ =	swait.ge [sflag:s19], $0x8080  }
0x2b: {  	[sflag:s19] =	ssyncset.done $0x0  }
0x2c: {  	s25 =	simm.s32 $0x0;
	[sflag:s19] =	ssyncadd.s32 $0xFFFF7F80  }
0x2d: {  	v3 =	vld [tilespmem:s25+$0x0];
	_ =	sdelay $0x4  }
0x2e: {  	vm0 =	vlt.s32 v3, $0x0;
	v5 =	vadd.s32 $0x801, v3  }
0x2f: {  	v3 =	vsel vm0, v5, v3  }
0x30: {  	v3 =	vadd.s32 v2, v3;
	_ =	sdelay $0x2  }
0x31: {  	s26 =	sshrl.u32 s13, $0x3  }
0x32: {  	s26 =	sadd.s32 s3, s26  }
0x33: {  	v5 =	vld.idx.msk [tilespmem:v3+s17+$0x0], $0xffff;
	[tilespmem:s17], [sflag:$0x1] =	stream.linear.gather [hbm4b:s26+s2], $0x8080, $0x38  }
0x34: {  	_ =	swait.ge [sflag:s20], $0x8080  }
0x35: {  	[sflag:s20] =	ssyncset.done $0x0  }
0x36: {  	[sflag:s20] =	ssyncadd.s32 $0xFFFF7F80  }
0x37: {  	v3 =	vld [tilespmem:s25+$0x10];
	_ =	sdelay $0x4  }
0x38: {  	vm15 =	vlt.s32 v3, $0x0;
	v6 =	vadd.s32 $0x801, v3  }
0x39: {  	v3 =	vsel vm15, v6, v3  }
0x3a: {  	v3 =	vadd.s32 v2, v3;
	_ =	sdelay $0x4  }
0x3b: {  	v3 =	vld.idx.msk [tilespmem:v3+s18+$0x0], $0xffff;
	[tilespmem:s18], [sflag:$0x2] =	stream.linear.gather [hbm4b:s12+s2], $0x8080, $0x38  }
0x3c: {  	_ =	swait.ge [sflag:s19], $0x8080  }
0x3d: {  	v4 =	vimm.f32 $0.0e+00;
	s29 =	simm.s32 $0x100;
	s28 =	simm.s32 $0x20;
	[sflag:s19] =	ssyncset.done $0x0  }
0x3e: {  	s26 =	smov.u32 s13;
	s25 =	smov.u32 s12;
	v4 =	vadd.f32 v5, v4;
	[sflag:s19] =	ssyncadd.s32 $0xFFFF7F80  }
.LBB2_2:
0x3f: {  	s25 =	sadd.s32 $0x2020, s25  }
0x40: {  	v5 =	vld [tilespmem:s28+$0x0];
	v4 =	vadd.f32 v3, v4;
	s26 =	sadd.s32 $0x10100, s26;
	s30 =	smov.u32 s29;
	s31 =	sadd.s32 $0x80, s29  }
0x41: {  	p1 =	seq.s32 s29, $0xF00;
	_ =	sdelay $0x3  }
0x42: {  	vm0 =	vlt.s32 v5, $0x0;
	v3 =	vadd.s32 $0x801, v5  }
0x43: {  	v3 =	vsel vm0, v3, v5  }
0x44: {  	v3 =	vadd.s32 v2, v3;
	_ =	sdelay $0x3  }
0x45: {  	s29 =	sshrl.u32 s26, $0x3  }
0x46: {  	s29 =	sadd.s32 s3, s29;
	v5 =	vld.idx.msk [tilespmem:v3+s17+$0x0], $0xffff  }
0x47: {  	[tilespmem:s17], [sflag:$0x1] =	stream.linear.gather [hbm4b:s29+s2], $0x8080, $0x38;
	[tilespmem:$0x11070] =	vst v63  }
0x48: {  	_ =	swait.ge [sflag:s20], $0x8080  }
0x49: {  	[sflag:s20] =	ssyncset.done $0x0  }
0x4a: {  	[sflag:s20] =	ssyncadd.s32 $0xFFFF7F80  }
0x4b: {  	v3 =	vld [tilespmem:s28+$0x10];
	_ =	sdelay $0x4  }
0x4c: {  	vm0 =	vlt.s32 v3, $0x0;
	v6 =	vadd.s32 $0x801, v3  }
0x4d: {  	v3 =	vsel vm0, v6, v3  }
0x4e: {  	v3 =	vadd.s32 v2, v3;
	_ =	sdelay $0x4  }
0x4f: {  	v3 =	vld.idx.msk [tilespmem:v3+s18+$0x0], $0xffff  }
0x50: {  	[tilespmem:s18], [sflag:$0x2] =	stream.linear.gather [hbm4b:s25+s2], $0x8080, $0x38;
	[tilespmem:$0x11070] =	vst v63  }
.Ltmp2:
0x51: {  	_ = 	snop;
	(pc) =	sbr.rel @!p1 .LBB2_2-.Ltmp2, $4  }
0x52: {  	_ = 	snop  }
0x53: {  	_ =	swait.ge [sflag:s19], $0x8080  }
0x54: {  	v4 =	vadd.f32 v5, v4;
	[sflag:s19] =	ssyncset.done $0x0  }
0x55: {  	s29 =	smov.u32 s31;
	s28 =	sshra.s32 s30, $0x2;
	[sflag:s19] =	ssyncadd.s32 $0xFFFF7F80  }
0x56: {  	v5 =	vld [tilespmem:s28+$0x0];
	_ =	sdelay $0x4  }
0x57: {  	vm0 =	vlt.s32 v5, $0x0;
	v6 =	vadd.s32 $0x801, v5  }
0x58: {  	v5 =	vsel vm0, v6, v5  }
0x59: {  	v5 =	vadd.s32 v2, v5;
	_ =	sdelay $0x1  }
0x5a: {  	s26 =	sadd.s32 $0x10100, s26  }
0x5b: {  	s26 =	sshrl.u32 s26, $0x3  }
0x5c: {  	s26 =	sadd.s32 s3, s26  }
0x5d: {  	v5 =	vld.idx.msk [tilespmem:v5+s17+$0x0], $0xffff;
	[tilespmem:s17], [sflag:$0x1] =	stream.linear.gather [hbm4b:s26+s2], $0x8080, $0x38  }
0x5e: {  	_ =	swait.ge [sflag:s20], $0x8080  }
0x5f: {  	[sflag:s20] =	ssyncset.done $0x0  }
0x60: {  	[sflag:s20] =	ssyncadd.s32 $0xFFFF7F80  }
0x61: {  	v6 =	vld [tilespmem:s28+$0x10];
	_ =	sdelay $0x4  }
0x62: {  	vm13 =	vlt.s32 v6, $0x0;
	v7 =	vadd.s32 $0x801, v6  }
0x63: {  	v6 =	vsel vm13, v7, v6  }
0x64: {  	v6 =	vadd.s32 v2, v6;
	_ =	sdelay $0x3  }
0x65: {  	s25 =	sadd.s32 $0x2020, s25  }
0x66: {  	v6 =	vld.idx.msk [tilespmem:v6+s18+$0x0], $0xffff;
	[tilespmem:s18], [sflag:$0x2] =	stream.linear.gather [hbm4b:s25+s2], $0x8080, $0x38  }
0x67: {  	_ =	swait.ge [sflag:s19], $0x8080  }
0x68: {  	[sflag:s19] =	ssyncset.done $0x0  }
0x69: {  	[sflag:s19] =	ssyncadd.s32 $0xFFFF7F80  }
0x6a: {  	v3 =	vadd.f32 v3, v4;
	v4 =	vld [tilespmem:$0x3E0];
	_ =	sdelay $0x4  }
0x6b: {  	v3 =	vadd.f32 v5, v3;
	vm14 =	vlt.s32 v4, $0x0;
	v5 =	vadd.s32 $0x801, v4  }
0x6c: {  	v4 =	vsel vm14, v5, v4  }
0x6d: {  	v4 =	vadd.s32 v2, v4;
	_ =	sdelay $0x4  }
0x6e: {  	v4 =	vld.idx.msk [tilespmem:v4+s17+$0x0], $0xffff;
	_ =	swait.ge [sflag:s20], $0x8080  }
0x6f: {  	[sflag:s20] =	ssyncset.done $0x0  }
0x70: {  	[sflag:s20] =	ssyncadd.s32 $0xFFFF7F80  }
0x71: {  	v5 =	vld [tilespmem:$0x3F0];
	_ =	sdelay $0x4  }
0x72: {  	v3 =	vadd.f32 v6, v3;
	vm15 =	vlt.s32 v5, $0x0;
	v6 =	vadd.s32 $0x801, v5  }
0x73: {  	v5 =	vsel vm15, v6, v5  }
0x74: {  	v5 =	vadd.s32 v2, v5;
	_ =	sdelay $0x4  }
0x75: {  	v6 =	vld.idx.msk [tilespmem:v5+s18+$0x0], $0xffff;
	_ =	sdelay $0x2  }
0x76: {  	s31 =	simm.s32 $0x0;
	v3 =	vadd.f32 v4, v3  }
0x77: {  	v7 =	vld [tilespmem:s31+$0x400]  }
0x78: {  	s25 =	simm.s32 $0x40;
	v4 =	vimm.f32 $0.0e+00;
	v5 =	vimm.s32 $0x0;
	v3 =	vadd.f32 v6, v3;
	v6 =	vld [tilespmem:s31+$0x800]  }
.LBB2_4:
0x79: {  	p1 =	sne.s32 s25, $0xFC0  }
.Ltmp3:
0x7a: {  	_ = 	snop;
	(pc) =	sbr.rel @p1 .LBB2_4-.Ltmp3, $4  }
0x7b: {  	_ = 	snop  }
0x7c: {  	s26 =	sshra.s32 s25, $0x2;
	s25 =	sadd.s32 $0x40, s25;
	vm0 =	veq.s32 v7, $0xFFFFFFFF  }
0x7d: {  	v7 =	vld [tilespmem:s26+$0x400];
	v8 =	vnsel vm0, $0x0, v6;
	v9 =	vsel vm0, $0x1, v0  }
0x7e: {  	v6 =	vld [tilespmem:s26+$0x800];
	v4 =	vadd.f32 v8, v4;
	v5 =	vadd.s32 v9, v5  }
0x7f: {  	_ =	sdelay $0x2  }
0x80: {  	vm0 =	veq.s32 v7, $0xFFFFFFFF  }
0x81: {  	v7 =	vsel vm0, $0x1, v0  }
0x82: {  	v5 =	vadd.s32 v7, v5  }
0x83: {  	(xrf0) =	vadd.scan.msk.s32 $0xffff, v5;
	_ =	sdelay $0x5  }
0x84: {  	v5, _, _ =	vpop (xrf0)  }
0x85: {  	(v2sf) =	vpush v5, $0xF  }
0x86: {  	v63 =	vnsel vm0, $0x0, v6  }
0x87: {  	v4 =	vadd.f32 v63, v4  }
0x88: {  	(xrf2) =	vadd.scan.msk.f32 $0xffff, v3  }
0x89: {  	(xrf2) =	vadd.scan.msk.f32 $0xffff, v4;
	_ =	sdelay $0x8  }
0x8a: {  	v3, _, _ =	vpop (xrf2)  }
0x8b: {  	v3 =	vbroadcast v3, $0xF;
	v4, _, _ =	vpop (xrf2)  }
0x8c: {  	v4 =	vbroadcast v4, $0xF;
	s25 =	spop (v2sf)  }
0x8d: {  	v3 =	vmul.f32 v1, v3;
	s25 =	scvt.s32.f32 s25  }
0x8e: {  	v4 =	vmul.f32 v1, v4  }
0x8f: {  	[tilespmem:$0x10D00] =	vst v3;
	v3 =	vmul.f32 s25, v1  }
0x90: {  	[tilespmem:$0x10D10] =	vst v4  }
0x91: {  	[tilespmem:$0x10D20] =	vst v3  }
0x92: {  	[spmem:s9] =	stream.linear.scatter [tilespmem:s21], [sflag:$0x3], $0x30, $0x38;
	[tilespmem:$0x11070] =	vst v63  }
.Ltmp4:
0x93: {  	_ =	swait.ge [sflag:s14], $0x30;
	(pc) =	sbr.rel @p0 .LBB2_7-.Ltmp4, $3  }
0x94: {  	[sflag:s14] =	ssyncset.done $0x0  }
0x95: {  	[sflag:s14] =	ssyncadd.s32 $0xFFFFFFD0  }
0x96: {  	[bflag:$0x0] =	sbarrier.arrive $0xFFFF;
	_ =	sdelay $0x1  }
0x97: {  	[tilespmem:s22], [sflag:$0x3] =	stream.linear.gather [spmem:s1], $0x300, $0x38;
	[tilespmem:$0x11070] =	vst v63  }
0x98: {  	_ =	swait.ge [sflag:s14], $0x300  }
0x99: {  	[sflag:s14] =	ssyncset.done $0x0  }
0x9a: {  	[sflag:s14] =	ssyncadd.s32 $0xFFFFFD00  }
0x9b: {  	v3 =	vld [tilespmem:$0x10D70]  }
0x9c: {  	v4 =	vld [tilespmem:$0x10D80]  }
0x9d: {  	v5 =	vld [tilespmem:$0x10D90]  }
0x9e: {  	v6 =	vld [tilespmem:$0x10DA0]  }
0x9f: {  	v7 =	vld [tilespmem:$0x10DB0]  }
0xa0: {  	v8 =	vld [tilespmem:$0x10DC0]  }
0xa1: {  	v9 =	vld [tilespmem:$0x10DD0]  }
0xa2: {  	v10 =	vld [tilespmem:$0x10DE0]  }
0xa3: {  	v11 =	vld [tilespmem:$0x10DF0]  }
0xa4: {  	v12 =	vld [tilespmem:$0x10E00]  }
0xa5: {  	v13 =	vld [tilespmem:$0x10E10]  }
0xa6: {  	v14 =	vld [tilespmem:$0x10E20]  }
0xa7: {  	v15 =	vld [tilespmem:$0x10E30]  }
0xa8: {  	v16 =	vld [tilespmem:$0x10E40];
	v5 =	vadd.f32 $0.0e+00, v5  }
0xa9: {  	v17 =	vld [tilespmem:$0x10E50]  }
0xaa: {  	v34 =	vld [tilespmem:$0x10E60];
	v5 =	vadd.f32 v8, v5  }
0xab: {  	v18 =	vld [tilespmem:$0x10E70]  }
0xac: {  	v35 =	vld [tilespmem:$0x10E80];
	v5 =	vadd.f32 v11, v5  }
0xad: {  	v19 =	vld [tilespmem:$0x10E90]  }
0xae: {  	v36 =	vld [tilespmem:$0x10EA0];
	v5 =	vadd.f32 v14, v5  }
0xaf: {  	v20 =	vld [tilespmem:$0x10EB0]  }
0xb0: {  	v37 =	vld [tilespmem:$0x10EC0];
	v3 =	vadd.f32 $0.0e+00, v3;
	v5 =	vadd.f32 v17, v5  }
0xb1: {  	v21 =	vld [tilespmem:$0x10EE0];
	v4 =	vadd.f32 $0.0e+00, v4  }
0xb2: {  	v38 =	vld [tilespmem:$0x10ED0];
	v3 =	vadd.f32 v6, v3;
	v5 =	vadd.f32 v35, v5  }
0xb3: {  	v39 =	vld [tilespmem:$0x10F10];
	v4 =	vadd.f32 v7, v4  }
0xb4: {  	v40 =	vld [tilespmem:$0x10EF0];
	v3 =	vadd.f32 v9, v3;
	v5 =	vadd.f32 v20, v5  }
0xb5: {  	v41 =	vld [tilespmem:$0x10F40];
	v4 =	vadd.f32 v10, v4  }
0xb6: {  	v42 =	vld [tilespmem:$0x10F00];
	v3 =	vadd.f32 v12, v3;
	v5 =	vadd.f32 v21, v5  }
0xb7: {  	v43 =	vld [tilespmem:$0x10F70];
	v4 =	vadd.f32 v13, v4  }
0xb8: {  	v44 =	vld [tilespmem:$0x10F20];
	v3 =	vadd.f32 v15, v3;
	v5 =	vadd.f32 v39, v5  }
0xb9: {  	v45 =	vld [tilespmem:$0x10FA0];
	v4 =	vadd.f32 v16, v4  }
0xba: {  	v46 =	vld [tilespmem:$0x10F30];
	v3 =	vadd.f32 v34, v3;
	v5 =	vadd.f32 v41, v5  }
0xbb: {  	v47 =	vld [tilespmem:$0x10FD0];
	v4 =	vadd.f32 v18, v4  }
0xbc: {  	v48 =	vld [tilespmem:$0x10F50];
	v3 =	vadd.f32 v19, v3;
	v5 =	vadd.f32 v43, v5  }
0xbd: {  	v49 =	vld [tilespmem:$0x11000];
	v4 =	vadd.f32 v36, v4  }
0xbe: {  	v50 =	vld [tilespmem:$0x10F60];
	v3 =	vadd.f32 v37, v3;
	v5 =	vadd.f32 v45, v5  }
0xbf: {  	v51 =	vld [tilespmem:$0x11030];
	v4 =	vadd.f32 v38, v4  }
0xc0: {  	v52 =	vld [tilespmem:$0x10F80];
	v3 =	vadd.f32 v40, v3;
	v5 =	vadd.f32 v47, v5  }
0xc1: {  	v53 =	vld [tilespmem:$0x11060];
	v4 =	vadd.f32 v42, v4  }
0xc2: {  	v54 =	vld [tilespmem:$0x10F90];
	v3 =	vadd.f32 v44, v3;
	v5 =	vadd.f32 v49, v5  }
0xc3: {  	v55 =	vld [tilespmem:$0x10FB0];
	v4 =	vadd.f32 v46, v4  }
0xc4: {  	v56 =	vld [tilespmem:$0x10FC0];
	v3 =	vadd.f32 v48, v3;
	v5 =	vadd.f32 v51, v5  }
0xc5: {  	v57 =	vld [tilespmem:$0x10FE0];
	v4 =	vadd.f32 v50, v4  }
0xc6: {  	v58 =	vld [tilespmem:$0x10FF0];
	v3 =	vadd.f32 v52, v3;
	v5 =	vadd.f32 v53, v5  }
0xc7: {  	v59 =	vld [tilespmem:$0x11010];
	v4 =	vadd.f32 v54, v4  }
0xc8: {  	v60 =	vld [tilespmem:$0x11020];
	v3 =	vadd.f32 v55, v3;
	v5 =	vadd.f32 $2.048000000e+03, v5  }
0xc9: {  	v61 =	vld [tilespmem:$0x11040]  }
0xca: {  	v4 =	vadd.f32 v56, v4;
	v3 =	vadd.f32 v57, v3;
	(erf) = vrcp.f32 v5  }
0xcb: {  	v62 =	vld [tilespmem:$0x11050]  }
0xcc: {  	v4 =	vadd.f32 v58, v4;
	v3 =	vadd.f32 v59, v3;
	_ =	sdelay $0x1  }
0xcd: {  	v4 =	vadd.f32 v60, v4;
	v3 =	vadd.f32 v61, v3;
	_ =	sdelay $0x1  }
0xce: {  	v4 =	vadd.f32 v62, v4;
	v3 =	vsub.f32 $0.0e+00, v3;
	_ =	sdelay $0x1  }
0xcf: {  	v3 =	vsub.f32 v3, v4  }
0xd0: {  	v63 =	vpop (erf)  }
0xd1: {  	v3 =	vmul.f32 v63, v3;
	_ =	sdelay $0x1  }
0xd2: {  	v3 =	vmul.f32 $6.250000000e-02, v3;
	_ =	sdelay $0x1  }
.Ltmp5:
0xd3: {  	[tilespmem:$0x10D30] =	vst v3;
	(pc) =	sbr.rel .LBB2_7-.Ltmp5, $4  }
0xd4: {  	[hbm4b:s10+s2] =	stream.linear.scatter [tilespmem:s23], [sflag:$0x3], $0x10, $0x38;
	[tilespmem:$0x11070] =	vst v63  }
0xd5: {  	_ =	swait.ge [sflag:s14], $0x10  }
0xd6: {  	[sflag:s14] =	ssyncset.done $0x0  }
0xd7: {  	[sflag:s14] =	ssyncadd.s32 $0xFFFFFFF0  }
.LBB2_8:
0xd8: {  	_ =	sfence.sel $0x180000  }
0xd9: {  	[bflag:$0x0] =	sbarrier.arrive $0xFFFF  }
0xda: {  	_ =	strace $0x90000047  }
0xdb: {  	s0 =	sadd.s32 @!p0 $0x100000, s0;
	[bflag:$0x2] =	sbarrier.arrive $0xFFFF  }
0xdc: {  	[sflag:s0] =	ssyncadd.tile.s32 @!p0 $0x1;
	_ =	shalt  }
.Lfunc_end2:
_tile_overlayer_lowered:
.L_overlay_start_2:
0xdd: {  	(tag) =	ssettag $0x2  }
0xde: {  	s0 =	rddreg [dreg:$0x0];
	s2 =	stileid.u32  }
0xdf: {  	s1 =	rddreg [dreg:$0x1];
	p0 =	sne.s32 s2, $0x0  }
0xe0: {  	s3 =	rddreg [dreg:$0x2];
	[bflag:$0x3] =	sbarrier.arrive $0xFFFF;
	s2 =	simm.s32 @!p0 $0x1C03  }
0xe1: {  	[timem:s3], [sflag:s2] =	dma.local @!p0 [hbm:s0], s1  }
0xe2: {  	s0 =	simm.s32 @!p0 $0x3  }
0xe3: {  	_ =	swait.ge @!p0 [sflag:s0], s1  }
0xe4: {  	s1 =	ssub.s32 @!p0 $0x0, s1;
	[sflag:s0] =	ssyncset.done @!p0 $0x0  }
0xe5: {  	[sflag:s0] =	ssyncadd.s32 @!p0 s1  }
0xe6: {  	[bflag:$0x3] =	sbarrier.arrive $0xFFFF  }
0xe7: {  	_ =	shalt  }

</sc_bundles>
